<compile_context>
chip_gen: v7x
topology: tpu7x:2x2x1
jax: 0.10.2.dev20260603
libtpu: 0.0.44.dev20260713+nightly
codegen_flags: <defaults>
</compile_context>

<pallas_src>
import functools

import jax
import jax.numpy as jnp
from jax import lax
from jax.experimental import pallas as pl
from jax.experimental.pallas import tpu as pltpu
from jax.experimental.pallas import tpu_sc as plsc

N = 10000
C = 256
K = 16
C_OUT = 256

NC = 2
NS = 16
NW = NC * NS
CPW = C // NW
CHUNK = 400
N_CHUNKS = N // CHUNK

_GDN = lax.GatherDimensionNumbers(
    offset_dims=(), collapsed_slice_dims=(0,), start_index_map=(0,))


def _dyn_gather(v, idx):
  return lax.gather(v, idx[:, None], _GDN, (1,),
                    mode=lax.GatherScatterMode.PROMISE_IN_BOUNDS)


def _sc_maxrel(x_flat, e_flat):
  mesh = plsc.VectorSubcoreMesh(core_axis_name="c", subcore_axis_name="s")

  @functools.partial(
      pl.kernel,
      out_type=jax.ShapeDtypeStruct((C, N), jnp.float32),
      mesh=mesh,
      scratch_types=[
          pltpu.VMEM((CPW * N,), jnp.float32),
          pltpu.VMEM((2, CHUNK * K), jnp.int32),
          pltpu.VMEM((2, CHUNK * K), jnp.int32),
          pltpu.VMEM((CPW, CHUNK), jnp.float32),
          pltpu.SemaphoreType.DMA,
          pltpu.SemaphoreType.DMA,
      ],
      compiler_params=pltpu.CompilerParams(use_tc_tiling_on_sc=False,
                                           needs_layout_passes=False),
  )
  def body(x_hbm, e_hbm, m_hbm, table_v, idxj_v, idxi_v, m_v, semj, semi):
    w = lax.axis_index("s") * NC + lax.axis_index("c")
    pltpu.sync_copy(x_hbm.at[pl.ds(w * (CPW * N), CPW * N)], table_v)

    ccol = lax.iota(jnp.int32, 16)
    mask8 = ccol < 8
    hi = jnp.where(mask8, 0, 1)
    caddr_n = jnp.where(mask8, ccol, 15 - ccol) * N
    perms = [2 * p + hi for p in range(K // 2)]

    def ecopy(side, base, slot):
      return pltpu.make_async_copy(
          e_hbm.at[pl.ds(side * (N * K) + base * K, CHUNK * K)],
          (idxj_v if side == 0 else idxi_v).at[slot],
          semj if side == 0 else semi)

    def process_chunk(ci, slot, prefetch):
      base = ci * CHUNK
      ecopy(0, base, slot).wait()
      ecopy(1, base, slot).wait()
      if prefetch:
        ecopy(0, base + CHUNK, 1 - slot).start()
        ecopy(1, base + CHUNK, 1 - slot).start()

      @plsc.parallel_loop(0, CHUNK, unroll=2)
      def node_body(n):
        jv = idxj_v[slot, pl.ds(n * K, K)]
        iv = idxi_v[slot, pl.ds(n * K, K)]
        acc = jnp.full((16,), -jnp.inf, dtype=jnp.float32)
        for p in range(K // 2):
          aj = _dyn_gather(jv, perms[p]) + caddr_n
          ai = _dyn_gather(iv, perms[p]) + caddr_n
          vj = plsc.load_gather(table_v, [aj])
          vi = plsc.load_gather(table_v, [ai])
          acc = jnp.maximum(acc, vj - vi)
        accf = jnp.maximum(acc, lax.rev(acc, (0,)))
        plsc.store_scatter(m_v, [ccol, jnp.full((16,), n, dtype=jnp.int32)],
                           accf, mask=mask8)

      pltpu.sync_copy(m_v, m_hbm.at[pl.ds(w * CPW, CPW), pl.ds(base, CHUNK)])

    ecopy(0, 0, 0).start()
    ecopy(1, 0, 0).start()

    def chunk_pair(cp, _):
      process_chunk(2 * cp, 0, True)
      process_chunk(2 * cp + 1, 1, True)
      return _

    lax.fori_loop(0, (N_CHUNKS - 1) // 2, chunk_pair, 0)
    process_chunk(N_CHUNKS - 1, 0, False)

  return body(x_flat, e_flat)


def _tc_matmul(x_cn, m_cn, w1, w2, b2):

  def body(x_ref, m_ref, w1_ref, w2_ref, b_ref, o_ref):
    a = lax.dot_general(w1_ref[...], x_ref[...], (((1,), (0,)), ((), ())),
                        preferred_element_type=jnp.float32)
    bm = lax.dot_general(w2_ref[...], m_ref[...], (((1,), (0,)), ((), ())),
                         preferred_element_type=jnp.float32)
    o_ref[...] = jnp.maximum(a + bm + b_ref[...], 0.0)

  return pl.pallas_call(
      body,
      out_shape=jax.ShapeDtypeStruct((C_OUT, N), jnp.float32),
  )(x_cn, m_cn, w1, w2, b2)


def kernel(x, edge_index, W, b):
  x_cn = jnp.reshape(x, (C, N))
  m = _sc_maxrel(jnp.reshape(x, (C * N,)),
                 jnp.reshape(edge_index, (2 * N * K,)))
  out = _tc_matmul(x_cn, m, W[:, :C], W[:, C:], b[:, None])
  return out[None, :, :, None]

# --- scband reference (transcript-rebuilt; emitter-appended) ---
"""Pipeline reference for scband-mrconv2d-5128190952112 (READ-ONLY COPY).

The authoritative reference and input builder live on the scoring server;
editing this copy changes nothing except your own understanding.
"""

import jax, jax.numpy as jnp
import numpy as np

B, C, N, K = 1, 256, 10000, 16
C_OUT = 256


def batched_index_select(x, idx):
    # x: [B, C, N, 1], idx: [B, N, K] -> [B, C, N, K]
    B_, C_, N_, _ = x.shape
    xf = jnp.transpose(jnp.squeeze(x, -1), (0, 2, 1))  # [B, N, C]
    feat = xf[jnp.arange(B_)[:, None, None], idx]  # [B, N, K, C]
    return jnp.transpose(feat, (0, 3, 1, 2))  # [B, C, N, K]


def setup_inputs(seed: int = 0):
    key = jax.random.key(seed)
    k1, k2, k3 = jax.random.split(key, 3)
    x = jax.random.normal(k1, (B, C, N, 1), dtype=jnp.float32)
    edge_index = jax.random.randint(k2, (2, B, N, K), 0, N, dtype=jnp.int32)
    W = jax.random.normal(k3, (C_OUT, 2 * C), dtype=jnp.float32) * 0.02
    b = jnp.zeros((C_OUT,), dtype=jnp.float32)
    return {"x": x, "edge_index": edge_index, "W": W, "b": b}


def reference(x, edge_index, W, b):
    # Max-Relative graph conv (MRConv2d), dense layout
    x_i = batched_index_select(x, edge_index[1])  # [B, C, N, K]
    x_j = batched_index_select(x, edge_index[0])  # [B, C, N, K]
    x_j = jnp.max(x_j - x_i, axis=-1, keepdims=True)  # [B, C, N, 1]
    h = jnp.concatenate([x, x_j], axis=1)  # [B, 2C, N, 1]
    # BasicConv: 1x1 Conv2d(2C -> C_OUT) + bias, act='relu', norm=None
    out = jnp.einsum('bcnk,oc->bonk', h, W) + b[None, :, None, None]
    return jax.nn.relu(out)

if __name__ == "__main__":
    import jax
    _d = setup_inputs()
    print(jax.jit(kernel)(*tuple(_d.values())))

</pallas_src>

<mosaic_0001>
#map = affine_map<(d0, d1) -> (0)>
#map1 = affine_map<(d0, d1) -> (0, 0)>
module attributes {stable_mosaic.version = 14 : i64} {
  func.func @body(%arg0: i32, %arg1: i32, %arg2: memref<2560000xf32, #tpu.memory_space<hbm>>, %arg3: memref<320000xi32, #tpu.memory_space<hbm>>, %arg4: memref<256x10000xf32, #tpu.memory_space<hbm>>, %arg5: memref<80000xf32, #tpu.memory_space<vmem>>, %arg6: memref<2x6400xi32, #tpu.memory_space<vmem>>, %arg7: memref<2x6400xi32, #tpu.memory_space<vmem>>, %arg8: memref<8x400xf32, #tpu.memory_space<vmem>>, %arg9: memref<!tpu.dma_semaphore, #tpu.memory_space<semaphore_mem>>, %arg10: memref<!tpu.dma_semaphore, #tpu.memory_space<semaphore_mem>>) attributes {dimension_semantics = [#tpu.dimension_semantics<core_parallel>, #tpu.dimension_semantics<subcore_parallel>], iteration_bounds = array<i64: 2, 16>, scalar_prefetch = 0 : i64, scratch_operands = 6 : i64, tpu.core_type = #tpu.core_type<sc_vector_subcore>, window_params = [{transform_indices = #map}, {transform_indices = #map}, {transform_indices = #map1}]} {
    %mul3A = arith.constant 2 : i32
    %mul3A_0 = arith.muli %arg1, %mul3A : i32
    %add3A = arith.addi %mul3A_0, %arg0 : i32
    %mul3A_1 = arith.constant 80000 : i32
    %mul3A_2 = arith.muli %add3A, %mul3A_1 : i32
    "tpu.region"() ({
      %run_scoped3A = tpu.sem_alloc : memref<!tpu.dma_semaphore, #tpu.memory_space<semaphore_mem>>
      %dma_start3A_88 = tpu.memref_slice %arg2[%mul3A_2] : memref<2560000xf32, #tpu.memory_space<hbm>> -> memref<80000xf32, #tpu.memory_space<hbm>>
      %dma_start3A_89 = tpu.memref_slice %arg2[%mul3A_2] : memref<2560000xf32, #tpu.memory_space<hbm>> -> memref<80000xf32, #tpu.memory_space<hbm>>
      tpu.enqueue_dma source(%dma_start3A_89 : memref<80000xf32, #tpu.memory_space<hbm>>) target(%arg5 : memref<80000xf32, #tpu.memory_space<vmem>>) target_semaphore(%run_scoped3A : memref<!tpu.dma_semaphore, #tpu.memory_space<semaphore_mem>>)
      %dma_wait3A_90 = tpu.memref_slice %arg2[%mul3A_2] : memref<2560000xf32, #tpu.memory_space<hbm>> -> memref<80000xf32, #tpu.memory_space<hbm>>
      %dma_wait3A_91 = tpu.memref_slice %arg2[%mul3A_2] : memref<2560000xf32, #tpu.memory_space<hbm>> -> memref<80000xf32, #tpu.memory_space<hbm>>
      tpu.wait_dma2 semaphore(%run_scoped3A : memref<!tpu.dma_semaphore, #tpu.memory_space<semaphore_mem>>) src(%dma_wait3A_91 : memref<80000xf32, #tpu.memory_space<hbm>>) dst(%arg5 : memref<80000xf32, #tpu.memory_space<vmem>>)
      tpu.yield
    }) : () -> ()
    %iota3A = tpu.iota {dimensions = array<i32: 0>} : vector<16xi32>
    %lt3A = arith.constant 8 : i32
    %lt3A_3 = vector.broadcast %lt3A : i32 to vector<16xi32>
    %lt3A_4 = arith.cmpi slt, %iota3A, %lt3A_3 : vector<16xi32>
    %jit3A = arith.constant 0 : i32
    %jit3A_5 = arith.constant 1 : i32
    %broadcast_in_dim3A = vector.broadcast %jit3A : i32 to vector<16xi32>
    %broadcast_in_dim3A_6 = vector.broadcast %jit3A_5 : i32 to vector<16xi32>
    %select_n3A = arith.select %lt3A_4, %broadcast_in_dim3A, %broadcast_in_dim3A_6 : vector<16xi1>, vector<16xi32>
    %sub3A = arith.constant 15 : i32
    %sub3A_7 = vector.broadcast %sub3A : i32 to vector<16xi32>
    %sub3A_8 = arith.subi %sub3A_7, %iota3A : vector<16xi32>
    %select_n3A_9 = arith.select %lt3A_4, %iota3A, %sub3A_8 : vector<16xi1>, vector<16xi32>
    %mul3A_10 = arith.constant 10000 : i32
    %mul3A_11 = vector.broadcast %mul3A_10 : i32 to vector<16xi32>
    %mul3A_12 = arith.muli %select_n3A_9, %mul3A_11 : vector<16xi32>
    %add3A_13 = arith.constant 0 : i32
    %add3A_14 = vector.broadcast %add3A_13 : i32 to vector<16xi32>
    %add3A_15 = arith.addi %add3A_14, %select_n3A : vector<16xi32>
    %add3A_16 = arith.constant 2 : i32
    %add3A_17 = vector.broadcast %add3A_16 : i32 to vector<16xi32>
    %add3A_18 = arith.addi %add3A_17, %select_n3A : vector<16xi32>
    %add3A_19 = arith.constant 4 : i32
    %add3A_20 = vector.broadcast %add3A_19 : i32 to vector<16xi32>
    %add3A_21 = arith.addi %add3A_20, %select_n3A : vector<16xi32>
    %add3A_22 = arith.constant 6 : i32
    %add3A_23 = vector.broadcast %add3A_22 : i32 to vector<16xi32>
    %add3A_24 = arith.addi %add3A_23, %select_n3A : vector<16xi32>
    %add3A_25 = arith.constant 8 : i32
    %add3A_26 = vector.broadcast %add3A_25 : i32 to vector<16xi32>
    %add3A_27 = arith.addi %add3A_26, %select_n3A : vector<16xi32>
    %add3A_28 = arith.constant 10 : i32
    %add3A_29 = vector.broadcast %add3A_28 : i32 to vector<16xi32>
    %add3A_30 = arith.addi %add3A_29, %select_n3A : vector<16xi32>
    %add3A_31 = arith.constant 12 : i32
    %add3A_32 = vector.broadcast %add3A_31 : i32 to vector<16xi32>
    %add3A_33 = arith.addi %add3A_32, %select_n3A : vector<16xi32>
    %add3A_34 = arith.constant 14 : i32
    %add3A_35 = vector.broadcast %add3A_34 : i32 to vector<16xi32>
    %add3A_36 = arith.addi %add3A_35, %select_n3A : vector<16xi32>
    %dma_start3A = arith.constant 0 : i32
    %dma_start3A_37 = arith.constant 0 : i32
    %dma_start3A_38 = tpu.memref_slice %arg6[%dma_start3A, %dma_start3A_37] : memref<2x6400xi32, #tpu.memory_space<vmem>> -> memref<1x6400xi32, #tpu.memory_space<vmem>>
    %dma_start3A_39 = tpu.memref_squeeze %dma_start3A_38 : memref<1x6400xi32, #tpu.memory_space<vmem>> -> memref<6400xi32, #tpu.memory_space<vmem>>
    %dma_start3A_40 = arith.constant 0 : i32
    %dma_start3A_41 = tpu.memref_slice %arg3[%dma_start3A_40] : memref<320000xi32, #tpu.memory_space<hbm>> -> memref<6400xi32, #tpu.memory_space<hbm>>
    %dma_start3A_42 = arith.constant 0 : i32
    %dma_start3A_43 = tpu.memref_slice %arg6[%dma_start3A, %dma_start3A_42] : memref<2x6400xi32, #tpu.memory_space<vmem>> -> memref<1x6400xi32, #tpu.memory_space<vmem>>
    %dma_start3A_44 = tpu.memref_squeeze %dma_start3A_43 : memref<1x6400xi32, #tpu.memory_space<vmem>> -> memref<6400xi32, #tpu.memory_space<vmem>>
    %dma_start3A_45 = arith.constant 0 : i32
    %dma_start3A_46 = tpu.memref_slice %arg3[%dma_start3A_45] : memref<320000xi32, #tpu.memory_space<hbm>> -> memref<6400xi32, #tpu.memory_space<hbm>>
    tpu.enqueue_dma source(%dma_start3A_46 : memref<6400xi32, #tpu.memory_space<hbm>>) target(%dma_start3A_44 : memref<6400xi32, #tpu.memory_space<vmem>>) target_semaphore(%arg9 : memref<!tpu.dma_semaphore, #tpu.memory_space<semaphore_mem>>)
    %dma_start3A_47 = arith.constant 0 : i32
    %dma_start3A_48 = arith.constant 0 : i32
    %dma_start3A_49 = tpu.memref_slice %arg7[%dma_start3A_47, %dma_start3A_48] : memref<2x6400xi32, #tpu.memory_space<vmem>> -> memref<1x6400xi32, #tpu.memory_space<vmem>>
    %dma_start3A_50 = tpu.memref_squeeze %dma_start3A_49 : memref<1x6400xi32, #tpu.memory_space<vmem>> -> memref<6400xi32, #tpu.memory_space<vmem>>
    %dma_start3A_51 = arith.constant 160000 : i32
    %dma_start3A_52 = tpu.memref_slice %arg3[%dma_start3A_51] : memref<320000xi32, #tpu.memory_space<hbm>> -> memref<6400xi32, #tpu.memory_space<hbm>>
    %dma_start3A_53 = arith.constant 0 : i32
    %dma_start3A_54 = tpu.memref_slice %arg7[%dma_start3A_47, %dma_start3A_53] : memref<2x6400xi32, #tpu.memory_space<vmem>> -> memref<1x6400xi32, #tpu.memory_space<vmem>>
    %dma_start3A_55 = tpu.memref_squeeze %dma_start3A_54 : memref<1x6400xi32, #tpu.memory_space<vmem>> -> memref<6400xi32, #tpu.memory_space<vmem>>
    %dma_start3A_56 = arith.constant 160000 : i32
    %dma_start3A_57 = tpu.memref_slice %arg3[%dma_start3A_56] : memref<320000xi32, #tpu.memory_space<hbm>> -> memref<6400xi32, #tpu.memory_space<hbm>>
    tpu.enqueue_dma source(%dma_start3A_57 : memref<6400xi32, #tpu.memory_space<hbm>>) target(%dma_start3A_55 : memref<6400xi32, #tpu.memory_space<vmem>>) target_semaphore(%arg10 : memref<!tpu.dma_semaphore, #tpu.memory_space<semaphore_mem>>)
    %scan3A = arith.constant 0 : i32
    %scan3A_58 = arith.constant 0 : i32
    %scan3A_59 = arith.constant 12 : i32
    %scan3A_60 = arith.addi %scan3A_58, %scan3A_59 : i32
    %scan3A_61 = arith.constant 1 : i32
    scf.for %scan3A_88 = %scan3A_58 to %scan3A_60 step %scan3A_61  : i32 {
      %mul3A_89 = arith.constant 2 : i32
      %mul3A_90 = arith.muli %mul3A_89, %scan3A_88 : i32
      %mul3A_91 = arith.constant 400 : i32
      %mul3A_92 = arith.muli %mul3A_90, %mul3A_91 : i32
      %mul3A_93 = arith.constant 16 : i32
      %mul3A_94 = arith.muli %mul3A_92, %mul3A_93 : i32
      %add3A_95 = arith.constant 0 : i32
      %add3A_96 = arith.addi %add3A_95, %mul3A_94 : i32
      %dma_wait3A_97 = arith.constant 0 : i32
      %dma_wait3A_98 = arith.constant 0 : i32
      %dma_wait3A_99 = tpu.memref_slice %arg6[%dma_wait3A_97, %dma_wait3A_98] : memref<2x6400xi32, #tpu.memory_space<vmem>> -> memref<1x6400xi32, #tpu.memory_space<vmem>>
      %dma_wait3A_100 = tpu.memref_squeeze %dma_wait3A_99 : memref<1x6400xi32, #tpu.memory_space<vmem>> -> memref<6400xi32, #tpu.memory_space<vmem>>
      %dma_wait3A_101 = tpu.memref_slice %arg3[%add3A_96] : memref<320000xi32, #tpu.memory_space<hbm>> -> memref<6400xi32, #tpu.memory_space<hbm>>
      %dma_wait3A_102 = arith.constant 0 : i32
      %dma_wait3A_103 = tpu.memref_slice %arg6[%dma_wait3A_97, %dma_wait3A_102] : memref<2x6400xi32, #tpu.memory_space<vmem>> -> memref<1x6400xi32, #tpu.memory_space<vmem>>
      %dma_wait3A_104 = tpu.memref_squeeze %dma_wait3A_103 : memref<1x6400xi32, #tpu.memory_space<vmem>> -> memref<6400xi32, #tpu.memory_space<vmem>>
      %dma_wait3A_105 = tpu.memref_slice %arg3[%add3A_96] : memref<320000xi32, #tpu.memory_space<hbm>> -> memref<6400xi32, #tpu.memory_space<hbm>>
      tpu.wait_dma2 semaphore(%arg9 : memref<!tpu.dma_semaphore, #tpu.memory_space<semaphore_mem>>) src(%dma_wait3A_105 : memref<6400xi32, #tpu.memory_space<hbm>>) dst(%dma_wait3A_104 : memref<6400xi32, #tpu.memory_space<vmem>>)
      %mul3A_106 = arith.constant 16 : i32
      %mul3A_107 = arith.muli %mul3A_92, %mul3A_106 : i32
      %add3A_108 = arith.constant 160000 : i32
      %add3A_109 = arith.addi %add3A_108, %mul3A_107 : i32
      %dma_wait3A_110 = arith.constant 0 : i32
      %dma_wait3A_111 = arith.constant 0 : i32
      %dma_wait3A_112 = tpu.memref_slice %arg7[%dma_wait3A_110, %dma_wait3A_111] : memref<2x6400xi32, #tpu.memory_space<vmem>> -> memref<1x6400xi32, #tpu.memory_space<vmem>>
      %dma_wait3A_113 = tpu.memref_squeeze %dma_wait3A_112 : memref<1x6400xi32, #tpu.memory_space<vmem>> -> memref<6400xi32, #tpu.memory_space<vmem>>
      %dma_wait3A_114 = tpu.memref_slice %arg3[%add3A_109] : memref<320000xi32, #tpu.memory_space<hbm>> -> memref<6400xi32, #tpu.memory_space<hbm>>
      %dma_wait3A_115 = arith.constant 0 : i32
      %dma_wait3A_116 = tpu.memref_slice %arg7[%dma_wait3A_110, %dma_wait3A_115] : memref<2x6400xi32, #tpu.memory_space<vmem>> -> memref<1x6400xi32, #tpu.memory_space<vmem>>
      %dma_wait3A_117 = tpu.memref_squeeze %dma_wait3A_116 : memref<1x6400xi32, #tpu.memory_space<vmem>> -> memref<6400xi32, #tpu.memory_space<vmem>>
      %dma_wait3A_118 = tpu.memref_slice %arg3[%add3A_109] : memref<320000xi32, #tpu.memory_space<hbm>> -> memref<6400xi32, #tpu.memory_space<hbm>>
      tpu.wait_dma2 semaphore(%arg10 : memref<!tpu.dma_semaphore, #tpu.memory_space<semaphore_mem>>) src(%dma_wait3A_118 : memref<6400xi32, #tpu.memory_space<hbm>>) dst(%dma_wait3A_117 : memref<6400xi32, #tpu.memory_space<vmem>>)
      %add3A_119 = arith.constant 400 : i32
      %add3A_120 = arith.addi %mul3A_92, %add3A_119 : i32
      %mul3A_121 = arith.constant 16 : i32
      %mul3A_122 = arith.muli %add3A_120, %mul3A_121 : i32
      %add3A_123 = arith.constant 0 : i32
      %add3A_124 = arith.addi %add3A_123, %mul3A_122 : i32
      %dma_start3A_125 = arith.constant 1 : i32
      %dma_start3A_126 = arith.constant 0 : i32
      %dma_start3A_127 = tpu.memref_slice %arg6[%dma_start3A_125, %dma_start3A_126] : memref<2x6400xi32, #tpu.memory_space<vmem>> -> memref<1x6400xi32, #tpu.memory_space<vmem>>
      %dma_start3A_128 = tpu.memref_squeeze %dma_start3A_127 : memref<1x6400xi32, #tpu.memory_space<vmem>> -> memref<6400xi32, #tpu.memory_space<vmem>>
      %dma_start3A_129 = tpu.memref_slice %arg3[%add3A_124] : memref<320000xi32, #tpu.memory_space<hbm>> -> memref<6400xi32, #tpu.memory_space<hbm>>
      %dma_start3A_130 = arith.constant 0 : i32
      %dma_start3A_131 = tpu.memref_slice %arg6[%dma_start3A_125, %dma_start3A_130] : memref<2x6400xi32, #tpu.memory_space<vmem>> -> memref<1x6400xi32, #tpu.memory_space<vmem>>
      %dma_start3A_132 = tpu.memref_squeeze %dma_start3A_131 : memref<1x6400xi32, #tpu.memory_space<vmem>> -> memref<6400xi32, #tpu.memory_space<vmem>>
      %dma_start3A_133 = tpu.memref_slice %arg3[%add3A_124] : memref<320000xi32, #tpu.memory_space<hbm>> -> memref<6400xi32, #tpu.memory_space<hbm>>
      tpu.enqueue_dma source(%dma_start3A_133 : memref<6400xi32, #tpu.memory_space<hbm>>) target(%dma_start3A_132 : memref<6400xi32, #tpu.memory_space<vmem>>) target_semaphore(%arg9 : memref<!tpu.dma_semaphore, #tpu.memory_space<semaphore_mem>>)
      %add3A_134 = arith.constant 400 : i32
      %add3A_135 = arith.addi %mul3A_92, %add3A_134 : i32
      %mul3A_136 = arith.constant 16 : i32
      %mul3A_137 = arith.muli %add3A_135, %mul3A_136 : i32
      %add3A_138 = arith.constant 160000 : i32
      %add3A_139 = arith.addi %add3A_138, %mul3A_137 : i32
      %dma_start3A_140 = arith.constant 1 : i32
      %dma_start3A_141 = arith.constant 0 : i32
      %dma_start3A_142 = tpu.memref_slice %arg7[%dma_start3A_140, %dma_start3A_141] : memref<2x6400xi32, #tpu.memory_space<vmem>> -> memref<1x6400xi32, #tpu.memory_space<vmem>>
      %dma_start3A_143 = tpu.memref_squeeze %dma_start3A_142 : memref<1x6400xi32, #tpu.memory_space<vmem>> -> memref<6400xi32, #tpu.memory_space<vmem>>
      %dma_start3A_144 = tpu.memref_slice %arg3[%add3A_139] : memref<320000xi32, #tpu.memory_space<hbm>> -> memref<6400xi32, #tpu.memory_space<hbm>>
      %dma_start3A_145 = arith.constant 0 : i32
      %dma_start3A_146 = tpu.memref_slice %arg7[%dma_start3A_140, %dma_start3A_145] : memref<2x6400xi32, #tpu.memory_space<vmem>> -> memref<1x6400xi32, #tpu.memory_space<vmem>>
      %dma_start3A_147 = tpu.memref_squeeze %dma_start3A_146 : memref<1x6400xi32, #tpu.memory_space<vmem>> -> memref<6400xi32, #tpu.memory_space<vmem>>
      %dma_start3A_148 = tpu.memref_slice %arg3[%add3A_139] : memref<320000xi32, #tpu.memory_space<hbm>> -> memref<6400xi32, #tpu.memory_space<hbm>>
      tpu.enqueue_dma source(%dma_start3A_148 : memref<6400xi32, #tpu.memory_space<hbm>>) target(%dma_start3A_147 : memref<6400xi32, #tpu.memory_space<vmem>>) target_semaphore(%arg10 : memref<!tpu.dma_semaphore, #tpu.memory_space<semaphore_mem>>)
      %parallel_loop3A_149 = arith.constant 0 : i32
      %parallel_loop3A_150 = arith.constant 400 : i32
      %parallel_loop3A_151 = arith.constant 1 : i32
      scf.for %parallel_loop3A_221 = %parallel_loop3A_149 to %parallel_loop3A_150 step %parallel_loop3A_151  : i32 {
        %parallel_loop3A_222 = arith.constant 16 : i32
        %parallel_loop3A_223 = arith.muli %parallel_loop3A_221, %parallel_loop3A_222 : i32
        %parallel_loop3A_224 = arith.constant 0 : i32
        %parallel_loop3A_225 = arith.index_cast %parallel_loop3A_224 : i32 to index
        %parallel_loop3A_226 = arith.index_cast %parallel_loop3A_223 : i32 to index
        %parallel_loop3A_227 = tpu.vector_load %arg6[%parallel_loop3A_225, %parallel_loop3A_226] {strides = array<i32>} : memref<2x6400xi32, #tpu.memory_space<vmem>>, vector<16xi32>,
        %parallel_loop3A_228 = arith.constant 16 : i32
        %parallel_loop3A_229 = arith.muli %parallel_loop3A_221, %parallel_loop3A_228 : i32
        %parallel_loop3A_230 = arith.constant 0 : i32
        %parallel_loop3A_231 = arith.index_cast %parallel_loop3A_230 : i32 to index
        %parallel_loop3A_232 = arith.index_cast %parallel_loop3A_229 : i32 to index
        %parallel_loop3A_233 = tpu.vector_load %arg7[%parallel_loop3A_231, %parallel_loop3A_232] {strides = array<i32>} : memref<2x6400xi32, #tpu.memory_space<vmem>>, vector<16xi32>,
        %parallel_loop3A_234 = arith.constant 0xFF800000 : f32
        %parallel_loop3A_235 = vector.broadcast %parallel_loop3A_234 : f32 to vector<16xf32>
        %parallel_loop3A_236 = vector.shape_cast %add3A_15 : vector<16xi32> to vector<16x1xi32>
        %parallel_loop3A_237 = vector.shape_cast %parallel_loop3A_236 : vector<16x1xi32> to vector<16xi32>
        %parallel_loop3A_238 = tpu.dynamic_gather %parallel_loop3A_227[%parallel_loop3A_237] in [0] : vector<16xi32>, vector<16xi32> -> vector<16xi32>
        %parallel_loop3A_239 = arith.addi %parallel_loop3A_238, %mul3A_12 : vector<16xi32>
        %parallel_loop3A_240 = vector.shape_cast %add3A_15 : vector<16xi32> to vector<16x1xi32>
        %parallel_loop3A_241 = vector.shape_cast %parallel_loop3A_240 : vector<16x1xi32> to vector<16xi32>
        %parallel_loop3A_242 = tpu.dynamic_gather %parallel_loop3A_233[%parallel_loop3A_241] in [0] : vector<16xi32>, vector<16xi32> -> vector<16xi32>
        %parallel_loop3A_243 = arith.addi %parallel_loop3A_242, %mul3A_12 : vector<16xi32>
        %parallel_loop3A_244 = tpu.vector_load_idx %arg5[%parallel_loop3A_239] : memref<80000xf32, #tpu.memory_space<vmem>>[vector<16xi32>], vector<16xf32>,
        %parallel_loop3A_245 = tpu.vector_load_idx %arg5[%parallel_loop3A_243] : memref<80000xf32, #tpu.memory_space<vmem>>[vector<16xi32>], vector<16xf32>,
        %parallel_loop3A_246 = arith.subf %parallel_loop3A_244, %parallel_loop3A_245 : vector<16xf32>
        %parallel_loop3A_247 = arith.maximumf %parallel_loop3A_235, %parallel_loop3A_246 : vector<16xf32>
        %parallel_loop3A_248 = vector.shape_cast %add3A_18 : vector<16xi32> to vector<16x1xi32>
        %parallel_loop3A_249 = vector.shape_cast %parallel_loop3A_248 : vector<16x1xi32> to vector<16xi32>
        %parallel_loop3A_250 = tpu.dynamic_gather %parallel_loop3A_227[%parallel_loop3A_249] in [0] : vector<16xi32>, vector<16xi32> -> vector<16xi32>
        %parallel_loop3A_251 = arith.addi %parallel_loop3A_250, %mul3A_12 : vector<16xi32>
        %parallel_loop3A_252 = vector.shape_cast %add3A_18 : vector<16xi32> to vector<16x1xi32>
        %parallel_loop3A_253 = vector.shape_cast %parallel_loop3A_252 : vector<16x1xi32> to vector<16xi32>
        %parallel_loop3A_254 = tpu.dynamic_gather %parallel_loop3A_233[%parallel_loop3A_253] in [0] : vector<16xi32>, vector<16xi32> -> vector<16xi32>
        %parallel_loop3A_255 = arith.addi %parallel_loop3A_254, %mul3A_12 : vector<16xi32>
        %parallel_loop3A_256 = tpu.vector_load_idx %arg5[%parallel_loop3A_251] : memref<80000xf32, #tpu.memory_space<vmem>>[vector<16xi32>], vector<16xf32>,
        %parallel_loop3A_257 = tpu.vector_load_idx %arg5[%parallel_loop3A_255] : memref<80000xf32, #tpu.memory_space<vmem>>[vector<16xi32>], vector<16xf32>,
        %parallel_loop3A_258 = arith.subf %parallel_loop3A_256, %parallel_loop3A_257 : vector<16xf32>
        %parallel_loop3A_259 = arith.maximumf %parallel_loop3A_247, %parallel_loop3A_258 : vector<16xf32>
        %parallel_loop3A_260 = vector.shape_cast %add3A_21 : vector<16xi32> to vector<16x1xi32>
        %parallel_loop3A_261 = vector.shape_cast %parallel_loop3A_260 : vector<16x1xi32> to vector<16xi32>
        %parallel_loop3A_262 = tpu.dynamic_gather %parallel_loop3A_227[%parallel_loop3A_261] in [0] : vector<16xi32>, vector<16xi32> -> vector<16xi32>
        %parallel_loop3A_263 = arith.addi %parallel_loop3A_262, %mul3A_12 : vector<16xi32>
        %parallel_loop3A_264 = vector.shape_cast %add3A_21 : vector<16xi32> to vector<16x1xi32>
        %parallel_loop3A_265 = vector.shape_cast %parallel_loop3A_264 : vector<16x1xi32> to vector<16xi32>
        %parallel_loop3A_266 = tpu.dynamic_gather %parallel_loop3A_233[%parallel_loop3A_265] in [0] : vector<16xi32>, vector<16xi32> -> vector<16xi32>
        %parallel_loop3A_267 = arith.addi %parallel_loop3A_266, %mul3A_12 : vector<16xi32>
        %parallel_loop3A_268 = tpu.vector_load_idx %arg5[%parallel_loop3A_263] : memref<80000xf32, #tpu.memory_space<vmem>>[vector<16xi32>], vector<16xf32>,
        %parallel_loop3A_269 = tpu.vector_load_idx %arg5[%parallel_loop3A_267] : memref<80000xf32, #tpu.memory_space<vmem>>[vector<16xi32>], vector<16xf32>,
        %parallel_loop3A_270 = arith.subf %parallel_loop3A_268, %parallel_loop3A_269 : vector<16xf32>
        %parallel_loop3A_271 = arith.maximumf %parallel_loop3A_259, %parallel_loop3A_270 : vector<16xf32>
        %parallel_loop3A_272 = vector.shape_cast %add3A_24 : vector<16xi32> to vector<16x1xi32>
        %parallel_loop3A_273 = vector.shape_cast %parallel_loop3A_272 : vector<16x1xi32> to vector<16xi32>
        %parallel_loop3A_274 = tpu.dynamic_gather %parallel_loop3A_227[%parallel_loop3A_273] in [0] : vector<16xi32>, vector<16xi32> -> vector<16xi32>
        %parallel_loop3A_275 = arith.addi %parallel_loop3A_274, %mul3A_12 : vector<16xi32>
        %parallel_loop3A_276 = vector.shape_cast %add3A_24 : vector<16xi32> to vector<16x1xi32>
        %parallel_loop3A_277 = vector.shape_cast %parallel_loop3A_276 : vector<16x1xi32> to vector<16xi32>
        %parallel_loop3A_278 = tpu.dynamic_gather %parallel_loop3A_233[%parallel_loop3A_277] in [0] : vector<16xi32>, vector<16xi32> -> vector<16xi32>
        %parallel_loop3A_279 = arith.addi %parallel_loop3A_278, %mul3A_12 : vector<16xi32>
        %parallel_loop3A_280 = tpu.vector_load_idx %arg5[%parallel_loop3A_275] : memref<80000xf32, #tpu.memory_space<vmem>>[vector<16xi32>], vector<16xf32>,
        %parallel_loop3A_281 = tpu.vector_load_idx %arg5[%parallel_loop3A_279] : memref<80000xf32, #tpu.memory_space<vmem>>[vector<16xi32>], vector<16xf32>,
        %parallel_loop3A_282 = arith.subf %parallel_loop3A_280, %parallel_loop3A_281 : vector<16xf32>
        %parallel_loop3A_283 = arith.maximumf %parallel_loop3A_271, %parallel_loop3A_282 : vector<16xf32>
        %parallel_loop3A_284 = vector.shape_cast %add3A_27 : vector<16xi32> to vector<16x1xi32>
        %parallel_loop3A_285 = vector.shape_cast %parallel_loop3A_284 : vector<16x1xi32> to vector<16xi32>
        %parallel_loop3A_286 = tpu.dynamic_gather %parallel_loop3A_227[%parallel_loop3A_285] in [0] : vector<16xi32>, vector<16xi32> -> vector<16xi32>
        %parallel_loop3A_287 = arith.addi %parallel_loop3A_286, %mul3A_12 : vector<16xi32>
        %parallel_loop3A_288 = vector.shape_cast %add3A_27 : vector<16xi32> to vector<16x1xi32>
        %parallel_loop3A_289 = vector.shape_cast %parallel_loop3A_288 : vector<16x1xi32> to vector<16xi32>
        %parallel_loop3A_290 = tpu.dynamic_gather %parallel_loop3A_233[%parallel_loop3A_289] in [0] : vector<16xi32>, vector<16xi32> -> vector<16xi32>
        %parallel_loop3A_291 = arith.addi %parallel_loop3A_290, %mul3A_12 : vector<16xi32>
        %parallel_loop3A_292 = tpu.vector_load_idx %arg5[%parallel_loop3A_287] : memref<80000xf32, #tpu.memory_space<vmem>>[vector<16xi32>], vector<16xf32>,
        %parallel_loop3A_293 = tpu.vector_load_idx %arg5[%parallel_loop3A_291] : memref<80000xf32, #tpu.memory_space<vmem>>[vector<16xi32>], vector<16xf32>,
        %parallel_loop3A_294 = arith.subf %parallel_loop3A_292, %parallel_loop3A_293 : vector<16xf32>
        %parallel_loop3A_295 = arith.maximumf %parallel_loop3A_283, %parallel_loop3A_294 : vector<16xf32>
        %parallel_loop3A_296 = vector.shape_cast %add3A_30 : vector<16xi32> to vector<16x1xi32>
        %parallel_loop3A_297 = vector.shape_cast %parallel_loop3A_296 : vector<16x1xi32> to vector<16xi32>
        %parallel_loop3A_298 = tpu.dynamic_gather %parallel_loop3A_227[%parallel_loop3A_297] in [0] : vector<16xi32>, vector<16xi32> -> vector<16xi32>
        %parallel_loop3A_299 = arith.addi %parallel_loop3A_298, %mul3A_12 : vector<16xi32>
        %parallel_loop3A_300 = vector.shape_cast %add3A_30 : vector<16xi32> to vector<16x1xi32>
        %parallel_loop3A_301 = vector.shape_cast %parallel_loop3A_300 : vector<16x1xi32> to vector<16xi32>
        %parallel_loop3A_302 = tpu.dynamic_gather %parallel_loop3A_233[%parallel_loop3A_301] in [0] : vector<16xi32>, vector<16xi32> -> vector<16xi32>
        %parallel_loop3A_303 = arith.addi %parallel_loop3A_302, %mul3A_12 : vector<16xi32>
        %parallel_loop3A_304 = tpu.vector_load_idx %arg5[%parallel_loop3A_299] : memref<80000xf32, #tpu.memory_space<vmem>>[vector<16xi32>], vector<16xf32>,
        %parallel_loop3A_305 = tpu.vector_load_idx %arg5[%parallel_loop3A_303] : memref<80000xf32, #tpu.memory_space<vmem>>[vector<16xi32>], vector<16xf32>,
        %parallel_loop3A_306 = arith.subf %parallel_loop3A_304, %parallel_loop3A_305 : vector<16xf32>
        %parallel_loop3A_307 = arith.maximumf %parallel_loop3A_295, %parallel_loop3A_306 : vector<16xf32>
        %parallel_loop3A_308 = vector.shape_cast %add3A_33 : vector<16xi32> to vector<16x1xi32>
        %parallel_loop3A_309 = vector.shape_cast %parallel_loop3A_308 : vector<16x1xi32> to vector<16xi32>
        %parallel_loop3A_310 = tpu.dynamic_gather %parallel_loop3A_227[%parallel_loop3A_309] in [0] : vector<16xi32>, vector<16xi32> -> vector<16xi32>
        %parallel_loop3A_311 = arith.addi %parallel_loop3A_310, %mul3A_12 : vector<16xi32>
        %parallel_loop3A_312 = vector.shape_cast %add3A_33 : vector<16xi32> to vector<16x1xi32>
        %parallel_loop3A_313 = vector.shape_cast %parallel_loop3A_312 : vector<16x1xi32> to vector<16xi32>
        %parallel_loop3A_314 = tpu.dynamic_gather %parallel_loop3A_233[%parallel_loop3A_313] in [0] : vector<16xi32>, vector<16xi32> -> vector<16xi32>
        %parallel_loop3A_315 = arith.addi %parallel_loop3A_314, %mul3A_12 : vector<16xi32>
        %parallel_loop3A_316 = tpu.vector_load_idx %arg5[%parallel_loop3A_311] : memref<80000xf32, #tpu.memory_space<vmem>>[vector<16xi32>], vector<16xf32>,
        %parallel_loop3A_317 = tpu.vector_load_idx %arg5[%parallel_loop3A_315] : memref<80000xf32, #tpu.memory_space<vmem>>[vector<16xi32>], vector<16xf32>,
        %parallel_loop3A_318 = arith.subf %parallel_loop3A_316, %parallel_loop3A_317 : vector<16xf32>
        %parallel_loop3A_319 = arith.maximumf %parallel_loop3A_307, %parallel_loop3A_318 : vector<16xf32>
        %parallel_loop3A_320 = vector.shape_cast %add3A_36 : vector<16xi32> to vector<16x1xi32>
        %parallel_loop3A_321 = vector.shape_cast %parallel_loop3A_320 : vector<16x1xi32> to vector<16xi32>
        %parallel_loop3A_322 = tpu.dynamic_gather %parallel_loop3A_227[%parallel_loop3A_321] in [0] : vector<16xi32>, vector<16xi32> -> vector<16xi32>
        %parallel_loop3A_323 = arith.addi %parallel_loop3A_322, %mul3A_12 : vector<16xi32>
        %parallel_loop3A_324 = vector.shape_cast %add3A_36 : vector<16xi32> to vector<16x1xi32>
        %parallel_loop3A_325 = vector.shape_cast %parallel_loop3A_324 : vector<16x1xi32> to vector<16xi32>
        %parallel_loop3A_326 = tpu.dynamic_gather %parallel_loop3A_233[%parallel_loop3A_325] in [0] : vector<16xi32>, vector<16xi32> -> vector<16xi32>
        %parallel_loop3A_327 = arith.addi %parallel_loop3A_326, %mul3A_12 : vector<16xi32>
        %parallel_loop3A_328 = tpu.vector_load_idx %arg5[%parallel_loop3A_323] : memref<80000xf32, #tpu.memory_space<vmem>>[vector<16xi32>], vector<16xf32>,
        %parallel_loop3A_329 = tpu.vector_load_idx %arg5[%parallel_loop3A_327] : memref<80000xf32, #tpu.memory_space<vmem>>[vector<16xi32>], vector<16xf32>,
        %parallel_loop3A_330 = arith.subf %parallel_loop3A_328, %parallel_loop3A_329 : vector<16xf32>
        %parallel_loop3A_331 = arith.maximumf %parallel_loop3A_319, %parallel_loop3A_330 : vector<16xf32>
        %parallel_loop3A_332 = arith.constant 15 : i32
        %parallel_loop3A_333 = vector.broadcast %parallel_loop3A_332 : i32 to vector<16xi32>
        %parallel_loop3A_334 = tpu.iota {dimensions = array<i32: 0>} : vector<16xi32>
        %parallel_loop3A_335 = arith.subi %parallel_loop3A_333, %parallel_loop3A_334 : vector<16xi32>
        %parallel_loop3A_336 = tpu.dynamic_gather %parallel_loop3A_331[%parallel_loop3A_335] in [0] : vector<16xf32>, vector<16xi32> -> vector<16xf32>
        %parallel_loop3A_337 = arith.maximumf %parallel_loop3A_331, %parallel_loop3A_336 : vector<16xf32>
        %parallel_loop3A_338 = vector.broadcast %parallel_loop3A_221 : i32 to vector<16xi32>
        tpu.vector_store_idx %arg8[%iota3A, %parallel_loop3A_338], %parallel_loop3A_337 masked %lt3A_4 : memref<8x400xf32, #tpu.memory_space<vmem>>[vector<16xi32>, vector<16xi32>], vector<16xf32>, vector<16xi1>
      } {sc.loop_unroll_factor = 2 : i64, sc.parallel_access}
      %mul3A_152 = arith.constant 8 : i32
      %mul3A_153 = arith.muli %add3A, %mul3A_152 : i32
      "tpu.region"() ({
        %run_scoped3A = tpu.sem_alloc : memref<!tpu.dma_semaphore, #tpu.memory_space<semaphore_mem>>
        %dma_start3A_221 = tpu.memref_slice %arg4[%mul3A_153, %mul3A_92] : memref<256x10000xf32, #tpu.memory_space<hbm>> -> memref<8x400xf32, #tpu.memory_space<hbm>>
        %dma_start3A_222 = tpu.memref_slice %arg4[%mul3A_153, %mul3A_92] : memref<256x10000xf32, #tpu.memory_space<hbm>> -> memref<8x400xf32, #tpu.memory_space<hbm>>
        tpu.enqueue_dma source(%arg8 : memref<8x400xf32, #tpu.memory_space<vmem>>) target(%dma_start3A_222 : memref<8x400xf32, #tpu.memory_space<hbm>>) target_semaphore(%run_scoped3A : memref<!tpu.dma_semaphore, #tpu.memory_space<semaphore_mem>>)
        %dma_wait3A_223 = tpu.memref_slice %arg4[%mul3A_153, %mul3A_92] : memref<256x10000xf32, #tpu.memory_space<hbm>> -> memref<8x400xf32, #tpu.memory_space<hbm>>
        %dma_wait3A_224 = tpu.memref_slice %arg4[%mul3A_153, %mul3A_92] : memref<256x10000xf32, #tpu.memory_space<hbm>> -> memref<8x400xf32, #tpu.memory_space<hbm>>
        tpu.wait_dma2 semaphore(%run_scoped3A : memref<!tpu.dma_semaphore, #tpu.memory_space<semaphore_mem>>) src(%arg8 : memref<8x400xf32, #tpu.memory_space<vmem>>) dst(%dma_wait3A_224 : memref<8x400xf32, #tpu.memory_space<hbm>>)
        tpu.yield
      }) : () -> ()
      %mul3A_154 = arith.constant 2 : i32
      %mul3A_155 = arith.muli %mul3A_154, %scan3A_88 : i32
      %add3A_156 = arith.constant 1 : i32
      %add3A_157 = arith.addi %mul3A_155, %add3A_156 : i32
      %mul3A_158 = arith.constant 400 : i32
      %mul3A_159 = arith.muli %add3A_157, %mul3A_158 : i32
      %mul3A_160 = arith.constant 16 : i32
      %mul3A_161 = arith.muli %mul3A_159, %mul3A_160 : i32
      %add3A_162 = arith.constant 0 : i32
      %add3A_163 = arith.addi %add3A_162, %mul3A_161 : i32
      %dma_wait3A_164 = arith.constant 1 : i32
      %dma_wait3A_165 = arith.constant 0 : i32
      %dma_wait3A_166 = tpu.memref_slice %arg6[%dma_wait3A_164, %dma_wait3A_165] : memref<2x6400xi32, #tpu.memory_space<vmem>> -> memref<1x6400xi32, #tpu.memory_space<vmem>>
      %dma_wait3A_167 = tpu.memref_squeeze %dma_wait3A_166 : memref<1x6400xi32, #tpu.memory_space<vmem>> -> memref<6400xi32, #tpu.memory_space<vmem>>
      %dma_wait3A_168 = tpu.memref_slice %arg3[%add3A_163] : memref<320000xi32, #tpu.memory_space<hbm>> -> memref<6400xi32, #tpu.memory_space<hbm>>
      %dma_wait3A_169 = arith.constant 0 : i32
      %dma_wait3A_170 = tpu.memref_slice %arg6[%dma_wait3A_164, %dma_wait3A_169] : memref<2x6400xi32, #tpu.memory_space<vmem>> -> memref<1x6400xi32, #tpu.memory_space<vmem>>
      %dma_wait3A_171 = tpu.memref_squeeze %dma_wait3A_170 : memref<1x6400xi32, #tpu.memory_space<vmem>> -> memref<6400xi32, #tpu.memory_space<vmem>>
      %dma_wait3A_172 = tpu.memref_slice %arg3[%add3A_163] : memref<320000xi32, #tpu.memory_space<hbm>> -> memref<6400xi32, #tpu.memory_space<hbm>>
      tpu.wait_dma2 semaphore(%arg9 : memref<!tpu.dma_semaphore, #tpu.memory_space<semaphore_mem>>) src(%dma_wait3A_172 : memref<6400xi32, #tpu.memory_space<hbm>>) dst(%dma_wait3A_171 : memref<6400xi32, #tpu.memory_space<vmem>>)
      %mul3A_173 = arith.constant 16 : i32
      %mul3A_174 = arith.muli %mul3A_159, %mul3A_173 : i32
      %add3A_175 = arith.constant 160000 : i32
      %add3A_176 = arith.addi %add3A_175, %mul3A_174 : i32
      %dma_wait3A_177 = arith.constant 1 : i32
      %dma_wait3A_178 = arith.constant 0 : i32
      %dma_wait3A_179 = tpu.memref_slice %arg7[%dma_wait3A_177, %dma_wait3A_178] : memref<2x6400xi32, #tpu.memory_space<vmem>> -> memref<1x6400xi32, #tpu.memory_space<vmem>>
      %dma_wait3A_180 = tpu.memref_squeeze %dma_wait3A_179 : memref<1x6400xi32, #tpu.memory_space<vmem>> -> memref<6400xi32, #tpu.memory_space<vmem>>
      %dma_wait3A_181 = tpu.memref_slice %arg3[%add3A_176] : memref<320000xi32, #tpu.memory_space<hbm>> -> memref<6400xi32, #tpu.memory_space<hbm>>
      %dma_wait3A_182 = arith.constant 0 : i32
      %dma_wait3A_183 = tpu.memref_slice %arg7[%dma_wait3A_177, %dma_wait3A_182] : memref<2x6400xi32, #tpu.memory_space<vmem>> -> memref<1x6400xi32, #tpu.memory_space<vmem>>
      %dma_wait3A_184 = tpu.memref_squeeze %dma_wait3A_183 : memref<1x6400xi32, #tpu.memory_space<vmem>> -> memref<6400xi32, #tpu.memory_space<vmem>>
      %dma_wait3A_185 = tpu.memref_slice %arg3[%add3A_176] : memref<320000xi32, #tpu.memory_space<hbm>> -> memref<6400xi32, #tpu.memory_space<hbm>>
      tpu.wait_dma2 semaphore(%arg10 : memref<!tpu.dma_semaphore, #tpu.memory_space<semaphore_mem>>) src(%dma_wait3A_185 : memref<6400xi32, #tpu.memory_space<hbm>>) dst(%dma_wait3A_184 : memref<6400xi32, #tpu.memory_space<vmem>>)
      %add3A_186 = arith.constant 400 : i32
      %add3A_187 = arith.addi %mul3A_159, %add3A_186 : i32
      %mul3A_188 = arith.constant 16 : i32
      %mul3A_189 = arith.muli %add3A_187, %mul3A_188 : i32
      %add3A_190 = arith.constant 0 : i32
      %add3A_191 = arith.addi %add3A_190, %mul3A_189 : i32
      %dma_start3A_192 = arith.constant 0 : i32
      %dma_start3A_193 = arith.constant 0 : i32
      %dma_start3A_194 = tpu.memref_slice %arg6[%dma_start3A_192, %dma_start3A_193] : memref<2x6400xi32, #tpu.memory_space<vmem>> -> memref<1x6400xi32, #tpu.memory_space<vmem>>
      %dma_start3A_195 = tpu.memref_squeeze %dma_start3A_194 : memref<1x6400xi32, #tpu.memory_space<vmem>> -> memref<6400xi32, #tpu.memory_space<vmem>>
      %dma_start3A_196 = tpu.memref_slice %arg3[%add3A_191] : memref<320000xi32, #tpu.memory_space<hbm>> -> memref<6400xi32, #tpu.memory_space<hbm>>
      %dma_start3A_197 = arith.constant 0 : i32
      %dma_start3A_198 = tpu.memref_slice %arg6[%dma_start3A_192, %dma_start3A_197] : memref<2x6400xi32, #tpu.memory_space<vmem>> -> memref<1x6400xi32, #tpu.memory_space<vmem>>
      %dma_start3A_199 = tpu.memref_squeeze %dma_start3A_198 : memref<1x6400xi32, #tpu.memory_space<vmem>> -> memref<6400xi32, #tpu.memory_space<vmem>>
      %dma_start3A_200 = tpu.memref_slice %arg3[%add3A_191] : memref<320000xi32, #tpu.memory_space<hbm>> -> memref<6400xi32, #tpu.memory_space<hbm>>
      tpu.enqueue_dma source(%dma_start3A_200 : memref<6400xi32, #tpu.memory_space<hbm>>) target(%dma_start3A_199 : memref<6400xi32, #tpu.memory_space<vmem>>) target_semaphore(%arg9 : memref<!tpu.dma_semaphore, #tpu.memory_space<semaphore_mem>>)
      %add3A_201 = arith.constant 400 : i32
      %add3A_202 = arith.addi %mul3A_159, %add3A_201 : i32
      %mul3A_203 = arith.constant 16 : i32
      %mul3A_204 = arith.muli %add3A_202, %mul3A_203 : i32
      %add3A_205 = arith.constant 160000 : i32
      %add3A_206 = arith.addi %add3A_205, %mul3A_204 : i32
      %dma_start3A_207 = arith.constant 0 : i32
      %dma_start3A_208 = arith.constant 0 : i32
      %dma_start3A_209 = tpu.memref_slice %arg7[%dma_start3A_207, %dma_start3A_208] : memref<2x6400xi32, #tpu.memory_space<vmem>> -> memref<1x6400xi32, #tpu.memory_space<vmem>>
      %dma_start3A_210 = tpu.memref_squeeze %dma_start3A_209 : memref<1x6400xi32, #tpu.memory_space<vmem>> -> memref<6400xi32, #tpu.memory_space<vmem>>
      %dma_start3A_211 = tpu.memref_slice %arg3[%add3A_206] : memref<320000xi32, #tpu.memory_space<hbm>> -> memref<6400xi32, #tpu.memory_space<hbm>>
      %dma_start3A_212 = arith.constant 0 : i32
      %dma_start3A_213 = tpu.memref_slice %arg7[%dma_start3A_207, %dma_start3A_212] : memref<2x6400xi32, #tpu.memory_space<vmem>> -> memref<1x6400xi32, #tpu.memory_space<vmem>>
      %dma_start3A_214 = tpu.memref_squeeze %dma_start3A_213 : memref<1x6400xi32, #tpu.memory_space<vmem>> -> memref<6400xi32, #tpu.memory_space<vmem>>
      %dma_start3A_215 = tpu.memref_slice %arg3[%add3A_206] : memref<320000xi32, #tpu.memory_space<hbm>> -> memref<6400xi32, #tpu.memory_space<hbm>>
      tpu.enqueue_dma source(%dma_start3A_215 : memref<6400xi32, #tpu.memory_space<hbm>>) target(%dma_start3A_214 : memref<6400xi32, #tpu.memory_space<vmem>>) target_semaphore(%arg10 : memref<!tpu.dma_semaphore, #tpu.memory_space<semaphore_mem>>)
      %parallel_loop3A_216 = arith.constant 0 : i32
      %parallel_loop3A_217 = arith.constant 400 : i32
      %parallel_loop3A_218 = arith.constant 1 : i32
      scf.for %parallel_loop3A_221 = %parallel_loop3A_216 to %parallel_loop3A_217 step %parallel_loop3A_218  : i32 {
        %parallel_loop3A_222 = arith.constant 16 : i32
        %parallel_loop3A_223 = arith.muli %parallel_loop3A_221, %parallel_loop3A_222 : i32
        %parallel_loop3A_224 = arith.constant 1 : i32
        %parallel_loop3A_225 = arith.index_cast %parallel_loop3A_224 : i32 to index
        %parallel_loop3A_226 = arith.index_cast %parallel_loop3A_223 : i32 to index
        %parallel_loop3A_227 = tpu.vector_load %arg6[%parallel_loop3A_225, %parallel_loop3A_226] {strides = array<i32>} : memref<2x6400xi32, #tpu.memory_space<vmem>>, vector<16xi32>,
        %parallel_loop3A_228 = arith.constant 16 : i32
        %parallel_loop3A_229 = arith.muli %parallel_loop3A_221, %parallel_loop3A_228 : i32
        %parallel_loop3A_230 = arith.constant 1 : i32
        %parallel_loop3A_231 = arith.index_cast %parallel_loop3A_230 : i32 to index
        %parallel_loop3A_232 = arith.index_cast %parallel_loop3A_229 : i32 to index
        %parallel_loop3A_233 = tpu.vector_load %arg7[%parallel_loop3A_231, %parallel_loop3A_232] {strides = array<i32>} : memref<2x6400xi32, #tpu.memory_space<vmem>>, vector<16xi32>,
        %parallel_loop3A_234 = arith.constant 0xFF800000 : f32
        %parallel_loop3A_235 = vector.broadcast %parallel_loop3A_234 : f32 to vector<16xf32>
        %parallel_loop3A_236 = vector.shape_cast %add3A_15 : vector<16xi32> to vector<16x1xi32>
        %parallel_loop3A_237 = vector.shape_cast %parallel_loop3A_236 : vector<16x1xi32> to vector<16xi32>
        %parallel_loop3A_238 = tpu.dynamic_gather %parallel_loop3A_227[%parallel_loop3A_237] in [0] : vector<16xi32>, vector<16xi32> -> vector<16xi32>
        %parallel_loop3A_239 = arith.addi %parallel_loop3A_238, %mul3A_12 : vector<16xi32>
        %parallel_loop3A_240 = vector.shape_cast %add3A_15 : vector<16xi32> to vector<16x1xi32>
        %parallel_loop3A_241 = vector.shape_cast %parallel_loop3A_240 : vector<16x1xi32> to vector<16xi32>
        %parallel_loop3A_242 = tpu.dynamic_gather %parallel_loop3A_233[%parallel_loop3A_241] in [0] : vector<16xi32>, vector<16xi32> -> vector<16xi32>
        %parallel_loop3A_243 = arith.addi %parallel_loop3A_242, %mul3A_12 : vector<16xi32>
        %parallel_loop3A_244 = tpu.vector_load_idx %arg5[%parallel_loop3A_239] : memref<80000xf32, #tpu.memory_space<vmem>>[vector<16xi32>], vector<16xf32>,
        %parallel_loop3A_245 = tpu.vector_load_idx %arg5[%parallel_loop3A_243] : memref<80000xf32, #tpu.memory_space<vmem>>[vector<16xi32>], vector<16xf32>,
        %parallel_loop3A_246 = arith.subf %parallel_loop3A_244, %parallel_loop3A_245 : vector<16xf32>
        %parallel_loop3A_247 = arith.maximumf %parallel_loop3A_235, %parallel_loop3A_246 : vector<16xf32>
        %parallel_loop3A_248 = vector.shape_cast %add3A_18 : vector<16xi32> to vector<16x1xi32>
        %parallel_loop3A_249 = vector.shape_cast %parallel_loop3A_248 : vector<16x1xi32> to vector<16xi32>
        %parallel_loop3A_250 = tpu.dynamic_gather %parallel_loop3A_227[%parallel_loop3A_249] in [0] : vector<16xi32>, vector<16xi32> -> vector<16xi32>
        %parallel_loop3A_251 = arith.addi %parallel_loop3A_250, %mul3A_12 : vector<16xi32>
        %parallel_loop3A_252 = vector.shape_cast %add3A_18 : vector<16xi32> to vector<16x1xi32>
        %parallel_loop3A_253 = vector.shape_cast %parallel_loop3A_252 : vector<16x1xi32> to vector<16xi32>
        %parallel_loop3A_254 = tpu.dynamic_gather %parallel_loop3A_233[%parallel_loop3A_253] in [0] : vector<16xi32>, vector<16xi32> -> vector<16xi32>
        %parallel_loop3A_255 = arith.addi %parallel_loop3A_254, %mul3A_12 : vector<16xi32>
        %parallel_loop3A_256 = tpu.vector_load_idx %arg5[%parallel_loop3A_251] : memref<80000xf32, #tpu.memory_space<vmem>>[vector<16xi32>], vector<16xf32>,
        %parallel_loop3A_257 = tpu.vector_load_idx %arg5[%parallel_loop3A_255] : memref<80000xf32, #tpu.memory_space<vmem>>[vector<16xi32>], vector<16xf32>,
        %parallel_loop3A_258 = arith.subf %parallel_loop3A_256, %parallel_loop3A_257 : vector<16xf32>
        %parallel_loop3A_259 = arith.maximumf %parallel_loop3A_247, %parallel_loop3A_258 : vector<16xf32>
        %parallel_loop3A_260 = vector.shape_cast %add3A_21 : vector<16xi32> to vector<16x1xi32>
        %parallel_loop3A_261 = vector.shape_cast %parallel_loop3A_260 : vector<16x1xi32> to vector<16xi32>
        %parallel_loop3A_262 = tpu.dynamic_gather %parallel_loop3A_227[%parallel_loop3A_261] in [0] : vector<16xi32>, vector<16xi32> -> vector<16xi32>
        %parallel_loop3A_263 = arith.addi %parallel_loop3A_262, %mul3A_12 : vector<16xi32>
        %parallel_loop3A_264 = vector.shape_cast %add3A_21 : vector<16xi32> to vector<16x1xi32>
        %parallel_loop3A_265 = vector.shape_cast %parallel_loop3A_264 : vector<16x1xi32> to vector<16xi32>
        %parallel_loop3A_266 = tpu.dynamic_gather %parallel_loop3A_233[%parallel_loop3A_265] in [0] : vector<16xi32>, vector<16xi32> -> vector<16xi32>
        %parallel_loop3A_267 = arith.addi %parallel_loop3A_266, %mul3A_12 : vector<16xi32>
        %parallel_loop3A_268 = tpu.vector_load_idx %arg5[%parallel_loop3A_263] : memref<80000xf32, #tpu.memory_space<vmem>>[vector<16xi32>], vector<16xf32>,
        %parallel_loop3A_269 = tpu.vector_load_idx %arg5[%parallel_loop3A_267] : memref<80000xf32, #tpu.memory_space<vmem>>[vector<16xi32>], vector<16xf32>,
        %parallel_loop3A_270 = arith.subf %parallel_loop3A_268, %parallel_loop3A_269 : vector<16xf32>
        %parallel_loop3A_271 = arith.maximumf %parallel_loop3A_259, %parallel_loop3A_270 : vector<16xf32>
        %parallel_loop3A_272 = vector.shape_cast %add3A_24 : vector<16xi32> to vector<16x1xi32>
        %parallel_loop3A_273 = vector.shape_cast %parallel_loop3A_272 : vector<16x1xi32> to vector<16xi32>
        %parallel_loop3A_274 = tpu.dynamic_gather %parallel_loop3A_227[%parallel_loop3A_273] in [0] : vector<16xi32>, vector<16xi32> -> vector<16xi32>
        %parallel_loop3A_275 = arith.addi %parallel_loop3A_274, %mul3A_12 : vector<16xi32>
        %parallel_loop3A_276 = vector.shape_cast %add3A_24 : vector<16xi32> to vector<16x1xi32>
        %parallel_loop3A_277 = vector.shape_cast %parallel_loop3A_276 : vector<16x1xi32> to vector<16xi32>
        %parallel_loop3A_278 = tpu.dynamic_gather %parallel_loop3A_233[%parallel_loop3A_277] in [0] : vector<16xi32>, vector<16xi32> -> vector<16xi32>
        %parallel_loop3A_279 = arith.addi %parallel_loop3A_278, %mul3A_12 : vector<16xi32>
        %parallel_loop3A_280 = tpu.vector_load_idx %arg5[%parallel_loop3A_275] : memref<80000xf32, #tpu.memory_space<vmem>>[vector<16xi32>], vector<16xf32>,
        %parallel_loop3A_281 = tpu.vector_load_idx %arg5[%parallel_loop3A_279] : memref<80000xf32, #tpu.memory_space<vmem>>[vector<16xi32>], vector<16xf32>,
        %parallel_loop3A_282 = arith.subf %parallel_loop3A_280, %parallel_loop3A_281 : vector<16xf32>
        %parallel_loop3A_283 = arith.maximumf %parallel_loop3A_271, %parallel_loop3A_282 : vector<16xf32>
        %parallel_loop3A_284 = vector.shape_cast %add3A_27 : vector<16xi32> to vector<16x1xi32>
        %parallel_loop3A_285 = vector.shape_cast %parallel_loop3A_284 : vector<16x1xi32> to vector<16xi32>
        %parallel_loop3A_286 = tpu.dynamic_gather %parallel_loop3A_227[%parallel_loop3A_285] in [0] : vector<16xi32>, vector<16xi32> -> vector<16xi32>
        %parallel_loop3A_287 = arith.addi %parallel_loop3A_286, %mul3A_12 : vector<16xi32>
        %parallel_loop3A_288 = vector.shape_cast %add3A_27 : vector<16xi32> to vector<16x1xi32>
        %parallel_loop3A_289 = vector.shape_cast %parallel_loop3A_288 : vector<16x1xi32> to vector<16xi32>
        %parallel_loop3A_290 = tpu.dynamic_gather %parallel_loop3A_233[%parallel_loop3A_289] in [0] : vector<16xi32>, vector<16xi32> -> vector<16xi32>
        %parallel_loop3A_291 = arith.addi %parallel_loop3A_290, %mul3A_12 : vector<16xi32>
        %parallel_loop3A_292 = tpu.vector_load_idx %arg5[%parallel_loop3A_287] : memref<80000xf32, #tpu.memory_space<vmem>>[vector<16xi32>], vector<16xf32>,
        %parallel_loop3A_293 = tpu.vector_load_idx %arg5[%parallel_loop3A_291] : memref<80000xf32, #tpu.memory_space<vmem>>[vector<16xi32>], vector<16xf32>,
        %parallel_loop3A_294 = arith.subf %parallel_loop3A_292, %parallel_loop3A_293 : vector<16xf32>
        %parallel_loop3A_295 = arith.maximumf %parallel_loop3A_283, %parallel_loop3A_294 : vector<16xf32>
        %parallel_loop3A_296 = vector.shape_cast %add3A_30 : vector<16xi32> to vector<16x1xi32>
        %parallel_loop3A_297 = vector.shape_cast %parallel_loop3A_296 : vector<16x1xi32> to vector<16xi32>
        %parallel_loop3A_298 = tpu.dynamic_gather %parallel_loop3A_227[%parallel_loop3A_297] in [0] : vector<16xi32>, vector<16xi32> -> vector<16xi32>
        %parallel_loop3A_299 = arith.addi %parallel_loop3A_298, %mul3A_12 : vector<16xi32>
        %parallel_loop3A_300 = vector.shape_cast %add3A_30 : vector<16xi32> to vector<16x1xi32>
        %parallel_loop3A_301 = vector.shape_cast %parallel_loop3A_300 : vector<16x1xi32> to vector<16xi32>
        %parallel_loop3A_302 = tpu.dynamic_gather %parallel_loop3A_233[%parallel_loop3A_301] in [0] : vector<16xi32>, vector<16xi32> -> vector<16xi32>
        %parallel_loop3A_303 = arith.addi %parallel_loop3A_302, %mul3A_12 : vector<16xi32>
        %parallel_loop3A_304 = tpu.vector_load_idx %arg5[%parallel_loop3A_299] : memref<80000xf32, #tpu.memory_space<vmem>>[vector<16xi32>], vector<16xf32>,
        %parallel_loop3A_305 = tpu.vector_load_idx %arg5[%parallel_loop3A_303] : memref<80000xf32, #tpu.memory_space<vmem>>[vector<16xi32>], vector<16xf32>,
        %parallel_loop3A_306 = arith.subf %parallel_loop3A_304, %parallel_loop3A_305 : vector<16xf32>
        %parallel_loop3A_307 = arith.maximumf %parallel_loop3A_295, %parallel_loop3A_306 : vector<16xf32>
        %parallel_loop3A_308 = vector.shape_cast %add3A_33 : vector<16xi32> to vector<16x1xi32>
        %parallel_loop3A_309 = vector.shape_cast %parallel_loop3A_308 : vector<16x1xi32> to vector<16xi32>
        %parallel_loop3A_310 = tpu.dynamic_gather %parallel_loop3A_227[%parallel_loop3A_309] in [0] : vector<16xi32>, vector<16xi32> -> vector<16xi32>
        %parallel_loop3A_311 = arith.addi %parallel_loop3A_310, %mul3A_12 : vector<16xi32>
        %parallel_loop3A_312 = vector.shape_cast %add3A_33 : vector<16xi32> to vector<16x1xi32>
        %parallel_loop3A_313 = vector.shape_cast %parallel_loop3A_312 : vector<16x1xi32> to vector<16xi32>
        %parallel_loop3A_314 = tpu.dynamic_gather %parallel_loop3A_233[%parallel_loop3A_313] in [0] : vector<16xi32>, vector<16xi32> -> vector<16xi32>
        %parallel_loop3A_315 = arith.addi %parallel_loop3A_314, %mul3A_12 : vector<16xi32>
        %parallel_loop3A_316 = tpu.vector_load_idx %arg5[%parallel_loop3A_311] : memref<80000xf32, #tpu.memory_space<vmem>>[vector<16xi32>], vector<16xf32>,
        %parallel_loop3A_317 = tpu.vector_load_idx %arg5[%parallel_loop3A_315] : memref<80000xf32, #tpu.memory_space<vmem>>[vector<16xi32>], vector<16xf32>,
        %parallel_loop3A_318 = arith.subf %parallel_loop3A_316, %parallel_loop3A_317 : vector<16xf32>
        %parallel_loop3A_319 = arith.maximumf %parallel_loop3A_307, %parallel_loop3A_318 : vector<16xf32>
        %parallel_loop3A_320 = vector.shape_cast %add3A_36 : vector<16xi32> to vector<16x1xi32>
        %parallel_loop3A_321 = vector.shape_cast %parallel_loop3A_320 : vector<16x1xi32> to vector<16xi32>
        %parallel_loop3A_322 = tpu.dynamic_gather %parallel_loop3A_227[%parallel_loop3A_321] in [0] : vector<16xi32>, vector<16xi32> -> vector<16xi32>
        %parallel_loop3A_323 = arith.addi %parallel_loop3A_322, %mul3A_12 : vector<16xi32>
        %parallel_loop3A_324 = vector.shape_cast %add3A_36 : vector<16xi32> to vector<16x1xi32>
        %parallel_loop3A_325 = vector.shape_cast %parallel_loop3A_324 : vector<16x1xi32> to vector<16xi32>
        %parallel_loop3A_326 = tpu.dynamic_gather %parallel_loop3A_233[%parallel_loop3A_325] in [0] : vector<16xi32>, vector<16xi32> -> vector<16xi32>
        %parallel_loop3A_327 = arith.addi %parallel_loop3A_326, %mul3A_12 : vector<16xi32>
        %parallel_loop3A_328 = tpu.vector_load_idx %arg5[%parallel_loop3A_323] : memref<80000xf32, #tpu.memory_space<vmem>>[vector<16xi32>], vector<16xf32>,
        %parallel_loop3A_329 = tpu.vector_load_idx %arg5[%parallel_loop3A_327] : memref<80000xf32, #tpu.memory_space<vmem>>[vector<16xi32>], vector<16xf32>,
        %parallel_loop3A_330 = arith.subf %parallel_loop3A_328, %parallel_loop3A_329 : vector<16xf32>
        %parallel_loop3A_331 = arith.maximumf %parallel_loop3A_319, %parallel_loop3A_330 : vector<16xf32>
        %parallel_loop3A_332 = arith.constant 15 : i32
        %parallel_loop3A_333 = vector.broadcast %parallel_loop3A_332 : i32 to vector<16xi32>
        %parallel_loop3A_334 = tpu.iota {dimensions = array<i32: 0>} : vector<16xi32>
        %parallel_loop3A_335 = arith.subi %parallel_loop3A_333, %parallel_loop3A_334 : vector<16xi32>
        %parallel_loop3A_336 = tpu.dynamic_gather %parallel_loop3A_331[%parallel_loop3A_335] in [0] : vector<16xf32>, vector<16xi32> -> vector<16xf32>
        %parallel_loop3A_337 = arith.maximumf %parallel_loop3A_331, %parallel_loop3A_336 : vector<16xf32>
        %parallel_loop3A_338 = vector.broadcast %parallel_loop3A_221 : i32 to vector<16xi32>
        tpu.vector_store_idx %arg8[%iota3A, %parallel_loop3A_338], %parallel_loop3A_337 masked %lt3A_4 : memref<8x400xf32, #tpu.memory_space<vmem>>[vector<16xi32>, vector<16xi32>], vector<16xf32>, vector<16xi1>
      } {sc.loop_unroll_factor = 2 : i64, sc.parallel_access}
      %mul3A_219 = arith.constant 8 : i32
      %mul3A_220 = arith.muli %add3A, %mul3A_219 : i32
      "tpu.region"() ({
        %run_scoped3A = tpu.sem_alloc : memref<!tpu.dma_semaphore, #tpu.memory_space<semaphore_mem>>
        %dma_start3A_221 = tpu.memref_slice %arg4[%mul3A_220, %mul3A_159] : memref<256x10000xf32, #tpu.memory_space<hbm>> -> memref<8x400xf32, #tpu.memory_space<hbm>>
        %dma_start3A_222 = tpu.memref_slice %arg4[%mul3A_220, %mul3A_159] : memref<256x10000xf32, #tpu.memory_space<hbm>> -> memref<8x400xf32, #tpu.memory_space<hbm>>
        tpu.enqueue_dma source(%arg8 : memref<8x400xf32, #tpu.memory_space<vmem>>) target(%dma_start3A_222 : memref<8x400xf32, #tpu.memory_space<hbm>>) target_semaphore(%run_scoped3A : memref<!tpu.dma_semaphore, #tpu.memory_space<semaphore_mem>>)
        %dma_wait3A_223 = tpu.memref_slice %arg4[%mul3A_220, %mul3A_159] : memref<256x10000xf32, #tpu.memory_space<hbm>> -> memref<8x400xf32, #tpu.memory_space<hbm>>
        %dma_wait3A_224 = tpu.memref_slice %arg4[%mul3A_220, %mul3A_159] : memref<256x10000xf32, #tpu.memory_space<hbm>> -> memref<8x400xf32, #tpu.memory_space<hbm>>
        tpu.wait_dma2 semaphore(%run_scoped3A : memref<!tpu.dma_semaphore, #tpu.memory_space<semaphore_mem>>) src(%arg8 : memref<8x400xf32, #tpu.memory_space<vmem>>) dst(%dma_wait3A_224 : memref<8x400xf32, #tpu.memory_space<hbm>>)
        tpu.yield
      }) : () -> ()
    }
    %scan3A_62 = arith.constant 12 : i32
    %dma_wait3A = arith.constant 0 : i32
    %dma_wait3A_63 = arith.constant 0 : i32
    %dma_wait3A_64 = tpu.memref_slice %arg6[%dma_wait3A, %dma_wait3A_63] : memref<2x6400xi32, #tpu.memory_space<vmem>> -> memref<1x6400xi32, #tpu.memory_space<vmem>>
    %dma_wait3A_65 = tpu.memref_squeeze %dma_wait3A_64 : memref<1x6400xi32, #tpu.memory_space<vmem>> -> memref<6400xi32, #tpu.memory_space<vmem>>
    %dma_wait3A_66 = arith.constant 153600 : i32
    %dma_wait3A_67 = tpu.memref_slice %arg3[%dma_wait3A_66] : memref<320000xi32, #tpu.memory_space<hbm>> -> memref<6400xi32, #tpu.memory_space<hbm>>
    %dma_wait3A_68 = arith.constant 0 : i32
    %dma_wait3A_69 = tpu.memref_slice %arg6[%dma_wait3A, %dma_wait3A_68] : memref<2x6400xi32, #tpu.memory_space<vmem>> -> memref<1x6400xi32, #tpu.memory_space<vmem>>
    %dma_wait3A_70 = tpu.memref_squeeze %dma_wait3A_69 : memref<1x6400xi32, #tpu.memory_space<vmem>> -> memref<6400xi32, #tpu.memory_space<vmem>>
    %dma_wait3A_71 = arith.constant 153600 : i32
    %dma_wait3A_72 = tpu.memref_slice %arg3[%dma_wait3A_71] : memref<320000xi32, #tpu.memory_space<hbm>> -> memref<6400xi32, #tpu.memory_space<hbm>>
    tpu.wait_dma2 semaphore(%arg9 : memref<!tpu.dma_semaphore, #tpu.memory_space<semaphore_mem>>) src(%dma_wait3A_72 : memref<6400xi32, #tpu.memory_space<hbm>>) dst(%dma_wait3A_70 : memref<6400xi32, #tpu.memory_space<vmem>>)
    %dma_wait3A_73 = arith.constant 0 : i32
    %dma_wait3A_74 = arith.constant 0 : i32
    %dma_wait3A_75 = tpu.memref_slice %arg7[%dma_wait3A_73, %dma_wait3A_74] : memref<2x6400xi32, #tpu.memory_space<vmem>> -> memref<1x6400xi32, #tpu.memory_space<vmem>>
    %dma_wait3A_76 = tpu.memref_squeeze %dma_wait3A_75 : memref<1x6400xi32, #tpu.memory_space<vmem>> -> memref<6400xi32, #tpu.memory_space<vmem>>
    %dma_wait3A_77 = arith.constant 313600 : i32
    %dma_wait3A_78 = tpu.memref_slice %arg3[%dma_wait3A_77] : memref<320000xi32, #tpu.memory_space<hbm>> -> memref<6400xi32, #tpu.memory_space<hbm>>
    %dma_wait3A_79 = arith.constant 0 : i32
    %dma_wait3A_80 = tpu.memref_slice %arg7[%dma_wait3A_73, %dma_wait3A_79] : memref<2x6400xi32, #tpu.memory_space<vmem>> -> memref<1x6400xi32, #tpu.memory_space<vmem>>
    %dma_wait3A_81 = tpu.memref_squeeze %dma_wait3A_80 : memref<1x6400xi32, #tpu.memory_space<vmem>> -> memref<6400xi32, #tpu.memory_space<vmem>>
    %dma_wait3A_82 = arith.constant 313600 : i32
    %dma_wait3A_83 = tpu.memref_slice %arg3[%dma_wait3A_82] : memref<320000xi32, #tpu.memory_space<hbm>> -> memref<6400xi32, #tpu.memory_space<hbm>>
    tpu.wait_dma2 semaphore(%arg10 : memref<!tpu.dma_semaphore, #tpu.memory_space<semaphore_mem>>) src(%dma_wait3A_83 : memref<6400xi32, #tpu.memory_space<hbm>>) dst(%dma_wait3A_81 : memref<6400xi32, #tpu.memory_space<vmem>>)
    %parallel_loop3A = arith.constant 0 : i32
    %parallel_loop3A_84 = arith.constant 400 : i32
    %parallel_loop3A_85 = arith.constant 1 : i32
    scf.for %parallel_loop3A_88 = %parallel_loop3A to %parallel_loop3A_84 step %parallel_loop3A_85  : i32 {
      %parallel_loop3A_89 = arith.constant 16 : i32
      %parallel_loop3A_90 = arith.muli %parallel_loop3A_88, %parallel_loop3A_89 : i32
      %parallel_loop3A_91 = arith.constant 0 : i32
      %parallel_loop3A_92 = arith.index_cast %parallel_loop3A_91 : i32 to index
      %parallel_loop3A_93 = arith.index_cast %parallel_loop3A_90 : i32 to index
      %parallel_loop3A_94 = tpu.vector_load %arg6[%parallel_loop3A_92, %parallel_loop3A_93] {strides = array<i32>} : memref<2x6400xi32, #tpu.memory_space<vmem>>, vector<16xi32>,
      %parallel_loop3A_95 = arith.constant 16 : i32
      %parallel_loop3A_96 = arith.muli %parallel_loop3A_88, %parallel_loop3A_95 : i32
      %parallel_loop3A_97 = arith.constant 0 : i32
      %parallel_loop3A_98 = arith.index_cast %parallel_loop3A_97 : i32 to index
      %parallel_loop3A_99 = arith.index_cast %parallel_loop3A_96 : i32 to index
      %parallel_loop3A_100 = tpu.vector_load %arg7[%parallel_loop3A_98, %parallel_loop3A_99] {strides = array<i32>} : memref<2x6400xi32, #tpu.memory_space<vmem>>, vector<16xi32>,
      %parallel_loop3A_101 = arith.constant 0xFF800000 : f32
      %parallel_loop3A_102 = vector.broadcast %parallel_loop3A_101 : f32 to vector<16xf32>
      %parallel_loop3A_103 = vector.shape_cast %add3A_15 : vector<16xi32> to vector<16x1xi32>
      %parallel_loop3A_104 = vector.shape_cast %parallel_loop3A_103 : vector<16x1xi32> to vector<16xi32>
      %parallel_loop3A_105 = tpu.dynamic_gather %parallel_loop3A_94[%parallel_loop3A_104] in [0] : vector<16xi32>, vector<16xi32> -> vector<16xi32>
      %parallel_loop3A_106 = arith.addi %parallel_loop3A_105, %mul3A_12 : vector<16xi32>
      %parallel_loop3A_107 = vector.shape_cast %add3A_15 : vector<16xi32> to vector<16x1xi32>
      %parallel_loop3A_108 = vector.shape_cast %parallel_loop3A_107 : vector<16x1xi32> to vector<16xi32>
      %parallel_loop3A_109 = tpu.dynamic_gather %parallel_loop3A_100[%parallel_loop3A_108] in [0] : vector<16xi32>, vector<16xi32> -> vector<16xi32>
      %parallel_loop3A_110 = arith.addi %parallel_loop3A_109, %mul3A_12 : vector<16xi32>
      %parallel_loop3A_111 = tpu.vector_load_idx %arg5[%parallel_loop3A_106] : memref<80000xf32, #tpu.memory_space<vmem>>[vector<16xi32>], vector<16xf32>,
      %parallel_loop3A_112 = tpu.vector_load_idx %arg5[%parallel_loop3A_110] : memref<80000xf32, #tpu.memory_space<vmem>>[vector<16xi32>], vector<16xf32>,
      %parallel_loop3A_113 = arith.subf %parallel_loop3A_111, %parallel_loop3A_112 : vector<16xf32>
      %parallel_loop3A_114 = arith.maximumf %parallel_loop3A_102, %parallel_loop3A_113 : vector<16xf32>
      %parallel_loop3A_115 = vector.shape_cast %add3A_18 : vector<16xi32> to vector<16x1xi32>
      %parallel_loop3A_116 = vector.shape_cast %parallel_loop3A_115 : vector<16x1xi32> to vector<16xi32>
      %parallel_loop3A_117 = tpu.dynamic_gather %parallel_loop3A_94[%parallel_loop3A_116] in [0] : vector<16xi32>, vector<16xi32> -> vector<16xi32>
      %parallel_loop3A_118 = arith.addi %parallel_loop3A_117, %mul3A_12 : vector<16xi32>
      %parallel_loop3A_119 = vector.shape_cast %add3A_18 : vector<16xi32> to vector<16x1xi32>
      %parallel_loop3A_120 = vector.shape_cast %parallel_loop3A_119 : vector<16x1xi32> to vector<16xi32>
      %parallel_loop3A_121 = tpu.dynamic_gather %parallel_loop3A_100[%parallel_loop3A_120] in [0] : vector<16xi32>, vector<16xi32> -> vector<16xi32>
      %parallel_loop3A_122 = arith.addi %parallel_loop3A_121, %mul3A_12 : vector<16xi32>
      %parallel_loop3A_123 = tpu.vector_load_idx %arg5[%parallel_loop3A_118] : memref<80000xf32, #tpu.memory_space<vmem>>[vector<16xi32>], vector<16xf32>,
      %parallel_loop3A_124 = tpu.vector_load_idx %arg5[%parallel_loop3A_122] : memref<80000xf32, #tpu.memory_space<vmem>>[vector<16xi32>], vector<16xf32>,
      %parallel_loop3A_125 = arith.subf %parallel_loop3A_123, %parallel_loop3A_124 : vector<16xf32>
      %parallel_loop3A_126 = arith.maximumf %parallel_loop3A_114, %parallel_loop3A_125 : vector<16xf32>
      %parallel_loop3A_127 = vector.shape_cast %add3A_21 : vector<16xi32> to vector<16x1xi32>
      %parallel_loop3A_128 = vector.shape_cast %parallel_loop3A_127 : vector<16x1xi32> to vector<16xi32>
      %parallel_loop3A_129 = tpu.dynamic_gather %parallel_loop3A_94[%parallel_loop3A_128] in [0] : vector<16xi32>, vector<16xi32> -> vector<16xi32>
      %parallel_loop3A_130 = arith.addi %parallel_loop3A_129, %mul3A_12 : vector<16xi32>
      %parallel_loop3A_131 = vector.shape_cast %add3A_21 : vector<16xi32> to vector<16x1xi32>
      %parallel_loop3A_132 = vector.shape_cast %parallel_loop3A_131 : vector<16x1xi32> to vector<16xi32>
      %parallel_loop3A_133 = tpu.dynamic_gather %parallel_loop3A_100[%parallel_loop3A_132] in [0] : vector<16xi32>, vector<16xi32> -> vector<16xi32>
      %parallel_loop3A_134 = arith.addi %parallel_loop3A_133, %mul3A_12 : vector<16xi32>
      %parallel_loop3A_135 = tpu.vector_load_idx %arg5[%parallel_loop3A_130] : memref<80000xf32, #tpu.memory_space<vmem>>[vector<16xi32>], vector<16xf32>,
      %parallel_loop3A_136 = tpu.vector_load_idx %arg5[%parallel_loop3A_134] : memref<80000xf32, #tpu.memory_space<vmem>>[vector<16xi32>], vector<16xf32>,
      %parallel_loop3A_137 = arith.subf %parallel_loop3A_135, %parallel_loop3A_136 : vector<16xf32>
      %parallel_loop3A_138 = arith.maximumf %parallel_loop3A_126, %parallel_loop3A_137 : vector<16xf32>
      %parallel_loop3A_139 = vector.shape_cast %add3A_24 : vector<16xi32> to vector<16x1xi32>
      %parallel_loop3A_140 = vector.shape_cast %parallel_loop3A_139 : vector<16x1xi32> to vector<16xi32>
      %parallel_loop3A_141 = tpu.dynamic_gather %parallel_loop3A_94[%parallel_loop3A_140] in [0] : vector<16xi32>, vector<16xi32> -> vector<16xi32>
      %parallel_loop3A_142 = arith.addi %parallel_loop3A_141, %mul3A_12 : vector<16xi32>
      %parallel_loop3A_143 = vector.shape_cast %add3A_24 : vector<16xi32> to vector<16x1xi32>
      %parallel_loop3A_144 = vector.shape_cast %parallel_loop3A_143 : vector<16x1xi32> to vector<16xi32>
      %parallel_loop3A_145 = tpu.dynamic_gather %parallel_loop3A_100[%parallel_loop3A_144] in [0] : vector<16xi32>, vector<16xi32> -> vector<16xi32>
      %parallel_loop3A_146 = arith.addi %parallel_loop3A_145, %mul3A_12 : vector<16xi32>
      %parallel_loop3A_147 = tpu.vector_load_idx %arg5[%parallel_loop3A_142] : memref<80000xf32, #tpu.memory_space<vmem>>[vector<16xi32>], vector<16xf32>,
      %parallel_loop3A_148 = tpu.vector_load_idx %arg5[%parallel_loop3A_146] : memref<80000xf32, #tpu.memory_space<vmem>>[vector<16xi32>], vector<16xf32>,
      %parallel_loop3A_149 = arith.subf %parallel_loop3A_147, %parallel_loop3A_148 : vector<16xf32>
      %parallel_loop3A_150 = arith.maximumf %parallel_loop3A_138, %parallel_loop3A_149 : vector<16xf32>
      %parallel_loop3A_151 = vector.shape_cast %add3A_27 : vector<16xi32> to vector<16x1xi32>
      %parallel_loop3A_152 = vector.shape_cast %parallel_loop3A_151 : vector<16x1xi32> to vector<16xi32>
      %parallel_loop3A_153 = tpu.dynamic_gather %parallel_loop3A_94[%parallel_loop3A_152] in [0] : vector<16xi32>, vector<16xi32> -> vector<16xi32>
      %parallel_loop3A_154 = arith.addi %parallel_loop3A_153, %mul3A_12 : vector<16xi32>
      %parallel_loop3A_155 = vector.shape_cast %add3A_27 : vector<16xi32> to vector<16x1xi32>
      %parallel_loop3A_156 = vector.shape_cast %parallel_loop3A_155 : vector<16x1xi32> to vector<16xi32>
      %parallel_loop3A_157 = tpu.dynamic_gather %parallel_loop3A_100[%parallel_loop3A_156] in [0] : vector<16xi32>, vector<16xi32> -> vector<16xi32>
      %parallel_loop3A_158 = arith.addi %parallel_loop3A_157, %mul3A_12 : vector<16xi32>
      %parallel_loop3A_159 = tpu.vector_load_idx %arg5[%parallel_loop3A_154] : memref<80000xf32, #tpu.memory_space<vmem>>[vector<16xi32>], vector<16xf32>,
      %parallel_loop3A_160 = tpu.vector_load_idx %arg5[%parallel_loop3A_158] : memref<80000xf32, #tpu.memory_space<vmem>>[vector<16xi32>], vector<16xf32>,
      %parallel_loop3A_161 = arith.subf %parallel_loop3A_159, %parallel_loop3A_160 : vector<16xf32>
      %parallel_loop3A_162 = arith.maximumf %parallel_loop3A_150, %parallel_loop3A_161 : vector<16xf32>
      %parallel_loop3A_163 = vector.shape_cast %add3A_30 : vector<16xi32> to vector<16x1xi32>
      %parallel_loop3A_164 = vector.shape_cast %parallel_loop3A_163 : vector<16x1xi32> to vector<16xi32>
      %parallel_loop3A_165 = tpu.dynamic_gather %parallel_loop3A_94[%parallel_loop3A_164] in [0] : vector<16xi32>, vector<16xi32> -> vector<16xi32>
      %parallel_loop3A_166 = arith.addi %parallel_loop3A_165, %mul3A_12 : vector<16xi32>
      %parallel_loop3A_167 = vector.shape_cast %add3A_30 : vector<16xi32> to vector<16x1xi32>
      %parallel_loop3A_168 = vector.shape_cast %parallel_loop3A_167 : vector<16x1xi32> to vector<16xi32>
      %parallel_loop3A_169 = tpu.dynamic_gather %parallel_loop3A_100[%parallel_loop3A_168] in [0] : vector<16xi32>, vector<16xi32> -> vector<16xi32>
      %parallel_loop3A_170 = arith.addi %parallel_loop3A_169, %mul3A_12 : vector<16xi32>
      %parallel_loop3A_171 = tpu.vector_load_idx %arg5[%parallel_loop3A_166] : memref<80000xf32, #tpu.memory_space<vmem>>[vector<16xi32>], vector<16xf32>,
      %parallel_loop3A_172 = tpu.vector_load_idx %arg5[%parallel_loop3A_170] : memref<80000xf32, #tpu.memory_space<vmem>>[vector<16xi32>], vector<16xf32>,
      %parallel_loop3A_173 = arith.subf %parallel_loop3A_171, %parallel_loop3A_172 : vector<16xf32>
      %parallel_loop3A_174 = arith.maximumf %parallel_loop3A_162, %parallel_loop3A_173 : vector<16xf32>
      %parallel_loop3A_175 = vector.shape_cast %add3A_33 : vector<16xi32> to vector<16x1xi32>
      %parallel_loop3A_176 = vector.shape_cast %parallel_loop3A_175 : vector<16x1xi32> to vector<16xi32>
      %parallel_loop3A_177 = tpu.dynamic_gather %parallel_loop3A_94[%parallel_loop3A_176] in [0] : vector<16xi32>, vector<16xi32> -> vector<16xi32>
      %parallel_loop3A_178 = arith.addi %parallel_loop3A_177, %mul3A_12 : vector<16xi32>
      %parallel_loop3A_179 = vector.shape_cast %add3A_33 : vector<16xi32> to vector<16x1xi32>
      %parallel_loop3A_180 = vector.shape_cast %parallel_loop3A_179 : vector<16x1xi32> to vector<16xi32>
      %parallel_loop3A_181 = tpu.dynamic_gather %parallel_loop3A_100[%parallel_loop3A_180] in [0] : vector<16xi32>, vector<16xi32> -> vector<16xi32>
      %parallel_loop3A_182 = arith.addi %parallel_loop3A_181, %mul3A_12 : vector<16xi32>
      %parallel_loop3A_183 = tpu.vector_load_idx %arg5[%parallel_loop3A_178] : memref<80000xf32, #tpu.memory_space<vmem>>[vector<16xi32>], vector<16xf32>,
      %parallel_loop3A_184 = tpu.vector_load_idx %arg5[%parallel_loop3A_182] : memref<80000xf32, #tpu.memory_space<vmem>>[vector<16xi32>], vector<16xf32>,
      %parallel_loop3A_185 = arith.subf %parallel_loop3A_183, %parallel_loop3A_184 : vector<16xf32>
      %parallel_loop3A_186 = arith.maximumf %parallel_loop3A_174, %parallel_loop3A_185 : vector<16xf32>
      %parallel_loop3A_187 = vector.shape_cast %add3A_36 : vector<16xi32> to vector<16x1xi32>
      %parallel_loop3A_188 = vector.shape_cast %parallel_loop3A_187 : vector<16x1xi32> to vector<16xi32>
      %parallel_loop3A_189 = tpu.dynamic_gather %parallel_loop3A_94[%parallel_loop3A_188] in [0] : vector<16xi32>, vector<16xi32> -> vector<16xi32>
      %parallel_loop3A_190 = arith.addi %parallel_loop3A_189, %mul3A_12 : vector<16xi32>
      %parallel_loop3A_191 = vector.shape_cast %add3A_36 : vector<16xi32> to vector<16x1xi32>
      %parallel_loop3A_192 = vector.shape_cast %parallel_loop3A_191 : vector<16x1xi32> to vector<16xi32>
      %parallel_loop3A_193 = tpu.dynamic_gather %parallel_loop3A_100[%parallel_loop3A_192] in [0] : vector<16xi32>, vector<16xi32> -> vector<16xi32>
      %parallel_loop3A_194 = arith.addi %parallel_loop3A_193, %mul3A_12 : vector<16xi32>
      %parallel_loop3A_195 = tpu.vector_load_idx %arg5[%parallel_loop3A_190] : memref<80000xf32, #tpu.memory_space<vmem>>[vector<16xi32>], vector<16xf32>,
      %parallel_loop3A_196 = tpu.vector_load_idx %arg5[%parallel_loop3A_194] : memref<80000xf32, #tpu.memory_space<vmem>>[vector<16xi32>], vector<16xf32>,
      %parallel_loop3A_197 = arith.subf %parallel_loop3A_195, %parallel_loop3A_196 : vector<16xf32>
      %parallel_loop3A_198 = arith.maximumf %parallel_loop3A_186, %parallel_loop3A_197 : vector<16xf32>
      %parallel_loop3A_199 = arith.constant 15 : i32
      %parallel_loop3A_200 = vector.broadcast %parallel_loop3A_199 : i32 to vector<16xi32>
      %parallel_loop3A_201 = tpu.iota {dimensions = array<i32: 0>} : vector<16xi32>
      %parallel_loop3A_202 = arith.subi %parallel_loop3A_200, %parallel_loop3A_201 : vector<16xi32>
      %parallel_loop3A_203 = tpu.dynamic_gather %parallel_loop3A_198[%parallel_loop3A_202] in [0] : vector<16xf32>, vector<16xi32> -> vector<16xf32>
      %parallel_loop3A_204 = arith.maximumf %parallel_loop3A_198, %parallel_loop3A_203 : vector<16xf32>
      %parallel_loop3A_205 = vector.broadcast %parallel_loop3A_88 : i32 to vector<16xi32>
      tpu.vector_store_idx %arg8[%iota3A, %parallel_loop3A_205], %parallel_loop3A_204 masked %lt3A_4 : memref<8x400xf32, #tpu.memory_space<vmem>>[vector<16xi32>, vector<16xi32>], vector<16xf32>, vector<16xi1>
    } {sc.loop_unroll_factor = 2 : i64, sc.parallel_access}
    %mul3A_86 = arith.constant 8 : i32
    %mul3A_87 = arith.muli %add3A, %mul3A_86 : i32
    "tpu.region"() ({
      %run_scoped3A = tpu.sem_alloc : memref<!tpu.dma_semaphore, #tpu.memory_space<semaphore_mem>>
      %dma_start3A_88 = arith.constant 9600 : i32
      %dma_start3A_89 = tpu.memref_slice %arg4[%mul3A_87, %dma_start3A_88] : memref<256x10000xf32, #tpu.memory_space<hbm>> -> memref<8x400xf32, #tpu.memory_space<hbm>>
      %dma_start3A_90 = arith.constant 9600 : i32
      %dma_start3A_91 = tpu.memref_slice %arg4[%mul3A_87, %dma_start3A_90] : memref<256x10000xf32, #tpu.memory_space<hbm>> -> memref<8x400xf32, #tpu.memory_space<hbm>>
      tpu.enqueue_dma source(%arg8 : memref<8x400xf32, #tpu.memory_space<vmem>>) target(%dma_start3A_91 : memref<8x400xf32, #tpu.memory_space<hbm>>) target_semaphore(%run_scoped3A : memref<!tpu.dma_semaphore, #tpu.memory_space<semaphore_mem>>)
      %dma_wait3A_92 = arith.constant 9600 : i32
      %dma_wait3A_93 = tpu.memref_slice %arg4[%mul3A_87, %dma_wait3A_92] : memref<256x10000xf32, #tpu.memory_space<hbm>> -> memref<8x400xf32, #tpu.memory_space<hbm>>
      %dma_wait3A_94 = arith.constant 9600 : i32
      %dma_wait3A_95 = tpu.memref_slice %arg4[%mul3A_87, %dma_wait3A_94] : memref<256x10000xf32, #tpu.memory_space<hbm>> -> memref<8x400xf32, #tpu.memory_space<hbm>>
      tpu.wait_dma2 semaphore(%run_scoped3A : memref<!tpu.dma_semaphore, #tpu.memory_space<semaphore_mem>>) src(%arg8 : memref<8x400xf32, #tpu.memory_space<vmem>>) dst(%dma_wait3A_95 : memref<8x400xf32, #tpu.memory_space<hbm>>)
      tpu.yield
    }) : () -> ()
    return
  }
}

module attributes {stable_mosaic.version = 14 : i64} {
  func.func @body(%arg0: memref<256x10000xf32, #tpu.memory_space<vmem>>, %arg1: memref<256x10000xf32, #tpu.memory_space<vmem>>, %arg2: memref<256x256xf32, #tpu.memory_space<vmem>>, %arg3: memref<256x256xf32, #tpu.memory_space<vmem>>, %arg4: memref<256x1xf32, #tpu.memory_space<vmem>>, %arg5: memref<256x10000xf32, #tpu.memory_space<vmem>>) attributes {dimension_semantics = [], scalar_prefetch = 0 : i64, scratch_operands = 0 : i64, tpu.core_type = #tpu.core_type<tc>} {
    %get3A = arith.constant 0 : index
    %get3A_0 = arith.constant 0 : index
    %get3A_1 = vector.load %arg2[%get3A, %get3A_0] : memref<256x256xf32, #tpu.memory_space<vmem>>, vector<256x256xf32>
    %get3A_2 = arith.constant 0 : index
    %get3A_3 = arith.constant 0 : index
    %get3A_4 = vector.load %arg0[%get3A_2, %get3A_3] : memref<256x10000xf32, #tpu.memory_space<vmem>>, vector<256x10000xf32>
    %dot_general3A = arith.constant dense<0.000000e+00> : vector<256x10000xf32>
    %dot_general3A_5 = tpu.matmul %get3A_1, %get3A_4, %dot_general3A {dimension_numbers = #tpu.dot_dimension_numbers<[1], [0], [0], [1], [0, 0, 1, 1], [], []>, transpose_lhs_hint = false} : vector<256x256xf32>, vector<256x10000xf32>, vector<256x10000xf32> -> vector<256x10000xf32>
    %get3A_6 = arith.constant 0 : index
    %get3A_7 = arith.constant 0 : index
    %get3A_8 = vector.load %arg3[%get3A_6, %get3A_7] : memref<256x256xf32, #tpu.memory_space<vmem>>, vector<256x256xf32>
    %get3A_9 = arith.constant 0 : index
    %get3A_10 = arith.constant 0 : index
    %get3A_11 = vector.load %arg1[%get3A_9, %get3A_10] : memref<256x10000xf32, #tpu.memory_space<vmem>>, vector<256x10000xf32>
    %dot_general3A_12 = arith.constant dense<0.000000e+00> : vector<256x10000xf32>
    %dot_general3A_13 = tpu.matmul %get3A_8, %get3A_11, %dot_general3A_12 {dimension_numbers = #tpu.dot_dimension_numbers<[1], [0], [0], [1], [0, 0, 1, 1], [], []>, transpose_lhs_hint = false} : vector<256x256xf32>, vector<256x10000xf32>, vector<256x10000xf32> -> vector<256x10000xf32>
    %add3A = arith.addf %dot_general3A_5, %dot_general3A_13 : vector<256x10000xf32>
    %get3A_14 = arith.constant 0 : index
    %get3A_15 = arith.constant 0 : index
    %get3A_16 = vector.load %arg4[%get3A_14, %get3A_15] : memref<256x1xf32, #tpu.memory_space<vmem>>, vector<256x1xf32>
    %add3A_17 = vector.broadcast %get3A_16 : vector<256x1xf32> to vector<256x10000xf32>
    %add3A_18 = arith.addf %add3A, %add3A_17 : vector<256x10000xf32>
    %max3A = arith.constant 0.000000e+00 : f32
    %max3A_19 = vector.broadcast %max3A : f32 to vector<256x10000xf32>
    %max3A_20 = arith.maximumf %add3A_18, %max3A_19 : vector<256x10000xf32>
    %swap3A = arith.constant 0 : index
    %swap3A_21 = arith.constant 0 : index
    %swap3A_22 = vector.load %arg5[%swap3A, %swap3A_21] : memref<256x10000xf32, #tpu.memory_space<vmem>>, vector<256x10000xf32>
    tpu.vector_store %arg5[%swap3A, %swap3A_21], %max3A_20 {strides = array<i32>} : memref<256x10000xf32, #tpu.memory_space<vmem>>, vector<256x10000xf32>,
    return
  }
}

</mosaic_0001>

<sc_bundles>
// kernel: kernel.4.cloned.1.call-start
scs
__scs_entry_jumppad:
0x0: {  	(pc) =	sbr.rel $0x88, $3  }
0x1: {  	(tag) =	ssettag $0x0;
	lr =	simm.s32 $0x1  }
0x2: {  	[smem:$0x3F9D] =	sst lr;
	_ =	strace $0xD0000000  }
0x3: {  	_ = 	snop  }
0x4: {  	_ = 	snop  }
0x5: {  	_ = 	snop  }
0x6: {  	_ = 	snop  }
0x7: {  	_ = 	snop  }
__scs_overlays_trampoline_lowered:
0x8: {  	[smem:$0x3FAC] =	sst s0  }
0x9: {  	[smem:$0x3FAD] =	sst s1  }
0xa: {  	[smem:$0x3FAE] =	sst s2  }
0xb: {  	[smem:$0x3FAF] =	sst s3  }
0xc: {  	[smem:$0x3FB0] =	sst s4  }
0xd: {  	[smem:$0x3FB1] =	sst s5  }
0xe: {  	[smem:$0x3FB2] =	sst s6  }
0xf: {  	[smem:$0x3FB3] =	sst s7  }
0x10: {  	[smem:$0x3FB4] =	sst s8  }
0x11: {  	[smem:$0x3FB5] =	sst s9;
	s0 =	simm.s32 @!p0 $0x0  }
0x12: {  	s1 =	sld [smem:$0x3F9B];
	s0 =	simm.s32 @p0 $0x1  }
0x13: {  	[smem:$0x3FB6] =	sst s0;
	s0 =	simm.s32 @!p1 $0x0  }
0x14: {  	s2 =	sld [smem:$0x3F9A];
	s0 =	simm.s32 @p1 $0x1  }
0x15: {  	[smem:$0x3FB7] =	sst s0;
	s0 =	simm.s32 @!p2 $0x0  }
0x16: {  	s3 =	sld [smem:$0x3FDB];
	s0 =	simm.s32 @p2 $0x1  }
0x17: {  	s4 =	simm.s32 $0x1BF5;
	[smem:$0x3FB9] =	sst s0  }
0x18: {  	s0 =	sld [smem:$0x3F9C];
	_ =	swait.ge [sflag:s4], $0x0  }
0x19: {  	s7 =	sld [smem:$0x3F9D]  }
0x1a: {  	s8 =	sadd.s32 $0xFFFFE003, lr  }
0x1b: {  	s9 =	sadd.s32 $0xFFFFFEF7, lr;
	s5 =	simm.s32 $0xFFFFFFFF;
	p2 =	slt.u32 s8, $0xFFFFF086  }
0x1c: {  	p1 =	slt.u32 s9, $0xF7A;
	s5 =	simm.s32 @!p2 $0x0  }
0x1d: {  	s5 =	simm.s32 @p1 $0x1;
	p0 =	seq.s32 s7, s2  }
0x1e: {  	s7 =	smul.u32 @!p0 $0xF7A, s2;
	p2 =	seq.s32 @!p0 s5, $0x0  }
0x1f: {  	s9 =	smul.u32 $0xF7A, s1;
	s8 =	simm.s32 @!p0 $0x1BF5;
	p2 =	por !p2, p0  }
0x20: {  	[sflag:s8] =	ssyncset.s32 @!p0 $0xFFFFF086;
	s6 =	sadd.s32 @!p0 s3, s7;
	s7 =	simm.s32 @!p0 $0x108  }
0x21: {  	s3 =	sadd.s32 s3, s9;
	s6 =	sadd.s32 @!p0 $0x88, s6;
	s7 =	simm.s32 @p2 $0x1082  }
0x22: {  	[simem:s7], [sflag:s8] =	dma.local @!p0 [hbm:s6], $0xF7A  }
0x23: {  	s9 =	sor.u32 $0xD0000000, s2;
	s6 =	simm.s32 $0x108;
	_ =	swait.ge @!p0 [sflag:s8], $0x0  }
0x24: {  	s3 =	sadd.s32 $0x88, s3;
	s6 =	simm.s32 @!p1 $0x1082;
	[sflag:s4] =	ssyncset.s32 $0xFFFFF086  }
0x25: {  	[simem:s6], [sflag:s4] =	dma.local [hbm:s3], $0xF7A  }
0x26: {  	[smem:$0x3F9D] =	sst s1;
	(tag) =	ssettag s2;
	_ =	strace s9  }
0x27: {  	s1 =	sld [smem:$0x3FAD]  }
0x28: {  	s2 =	sld [smem:$0x3FAE]  }
0x29: {  	s4 =	sld [smem:$0x3FB0]  }
0x2a: {  	p0 =	seq.s32 s5, $0x0;
	s5 =	sld [smem:$0x3FB1]  }
0x2b: {  	s6 =	sld [smem:$0x3FB2]  }
0x2c: {  	s7 =	sld [smem:$0x3FB3]  }
0x2d: {  	s3 =	simm.s32 $0x108;
	s8 =	sld [smem:$0x3FB4]  }
0x2e: {  	s3 =	simm.s32 @!p0 $0x1082;
	s9 =	sld [smem:$0x3FB5]  }
0x2f: {  	lr =	sadd.s32 s0, s3;
	s0 =	sld [smem:$0x3FAC]  }
0x30: {  	s3 =	sld [smem:$0x3FAF]  }
0x31: {  	[smem:$0x3FB8] =	sst s10  }
0x32: {  	s10 =	sld [smem:$0x3FB6];
	_ =	sdelay $0x3  }
0x33: {  	p0 =	seq.s32 s10, $0x1;
	s10 =	sld [smem:$0x3FB8];
	_ =	sdelay $0x3  }
0x34: {  	[smem:$0x3FB8] =	sst s10  }
0x35: {  	s10 =	sld [smem:$0x3FB7];
	_ =	sdelay $0x3  }
0x36: {  	p1 =	seq.s32 s10, $0x1;
	s10 =	sld [smem:$0x3FB8];
	_ =	sdelay $0x3  }
0x37: {  	[smem:$0x3FB8] =	sst s10  }
0x38: {  	s10 =	sld [smem:$0x3FB9]  }
0x39: {  	_ = 	snop;
	(pc) =	sbr.ind lr, $3  }
0x3a: {  	_ = 	snop  }
0x3b: {  	_ = 	snop  }
0x3c: {  	p2 =	seq.s32 s10, $0x1;
	s10 =	sld [smem:$0x3FB8]  }
0x3d: {  	_ =	shalt  }
0x3e: {  	_ =	shalt  }
0x3f: {  	_ =	shalt  }
0x40: {  	_ =	shalt  }
0x41: {  	_ =	shalt  }
0x42: {  	_ =	shalt  }
0x43: {  	_ =	shalt  }
0x44: {  	_ =	shalt  }
0x45: {  	_ =	shalt  }
0x46: {  	_ =	shalt  }
0x47: {  	_ =	shalt  }
0x48: {  	_ =	shalt  }
0x49: {  	_ =	shalt  }
0x4a: {  	_ =	shalt  }
0x4b: {  	_ =	shalt  }
0x4c: {  	_ =	shalt  }
0x4d: {  	_ =	shalt  }
0x4e: {  	_ =	shalt  }
0x4f: {  	_ =	shalt  }
0x50: {  	_ =	shalt  }
0x51: {  	_ =	shalt  }
0x52: {  	_ =	shalt  }
0x53: {  	_ =	shalt  }
0x54: {  	_ =	shalt  }
0x55: {  	_ =	shalt  }
0x56: {  	_ =	shalt  }
0x57: {  	_ =	shalt  }
0x58: {  	_ =	shalt  }
0x59: {  	_ =	shalt  }
0x5a: {  	_ =	shalt  }
0x5b: {  	_ =	shalt  }
0x5c: {  	_ =	shalt  }
0x5d: {  	_ =	shalt  }
0x5e: {  	_ =	shalt  }
0x5f: {  	_ =	shalt  }
0x60: {  	_ =	shalt  }
0x61: {  	_ =	shalt  }
0x62: {  	_ =	shalt  }
0x63: {  	_ =	shalt  }
0x64: {  	_ =	shalt  }
0x65: {  	_ =	shalt  }
0x66: {  	_ =	shalt  }
0x67: {  	_ =	shalt  }
0x68: {  	_ =	shalt  }
0x69: {  	_ =	shalt  }
0x6a: {  	_ =	shalt  }
0x6b: {  	_ =	shalt  }
0x6c: {  	_ =	shalt  }
0x6d: {  	_ =	shalt  }
0x6e: {  	_ =	shalt  }
0x6f: {  	_ =	shalt  }
0x70: {  	_ =	shalt  }
0x71: {  	_ =	shalt  }
0x72: {  	_ =	shalt  }
0x73: {  	_ =	shalt  }
0x74: {  	_ =	shalt  }
0x75: {  	_ =	shalt  }
0x76: {  	_ =	shalt  }
0x77: {  	_ =	shalt  }
0x78: {  	_ =	shalt  }
0x79: {  	_ =	shalt  }
0x7a: {  	_ =	shalt  }
0x7b: {  	_ =	shalt  }
0x7c: {  	_ =	shalt  }
0x7d: {  	_ =	shalt  }
0x7e: {  	_ =	shalt  }
0x7f: {  	_ =	shalt  }
0x80: {  	_ =	shalt  }
0x81: {  	_ =	shalt  }
0x82: {  	_ =	shalt  }
0x83: {  	_ =	shalt  }
0x84: {  	_ =	shalt  }
0x85: {  	_ =	shalt  }
0x86: {  	_ =	shalt  }
0x87: {  	_ =	shalt  }
.Lfunc_end0:
.L_simem_size_0:
called_computation_lowered:
.L_overlay_start_0:
0x88: {  	s2 =	sld [smem:$0x3FD9]  }
0x89: {  	s3 =	sld [smem:$0x3FFE];
	_ =	sdelay $0x1  }
0x8a: {  	s1 =	srdreg.scid  }
0x8b: {  	s0 =	sand.u32 $0x1, s1  }
0x8c: {  	s17 =	sshll.u32 s0, $0xA;
	s2 =	sadd.s32 s3, s2  }
0x8d: {  	s2 =	sadd.s32 s2, s17  }
0x8e: {  	[smem:$0x3FC4] =	sst s2  }
0x8f: {  	_ = 	snop  }
0x90: {  	s2 =	sld [smem:$0x3FD0];
	(tm) =	ssettm $0x1  }
0x91: {  	s18 =	sld [smem:$0x3FFB];
	_ =	sdelay $0x3  }
0x92: {  	_ =	strace s18  }
0x93: {  	s3 =	sld [smem:$0x3FFC];
	_ =	sdelay $0x3  }
0x94: {  	_ =	strace s3  }
0x95: {  	s3 =	sld [smem:$0x3FFD];
	_ =	sdelay $0x3  }
0x96: {  	_ =	strace s3  }
0x97: {  	_ =	strace $0x8FFFFFFF  }
0x98: {  	s19 =	sld [smem:$0x3FDB];
	_ =	sdelay $0x1  }
0x99: {  	s4 =	simm.s32 $_scs_section_size  }
0x9a: {  	s5 =	simm.s32 $_size__tile_overlayer_lowered;
	s6 =	simm.s32 $_tile_overlayer_lowered  }
0x9b: {  	s22 =	simm.s32 $0x1BFF;
	s21 =	sshll.u32 s6, $0x1;
	s3 =	sadd.s32 s4, s19  }
0x9c: {  	s7 =	simm.s32 $0x0;
	s20 =	sshll.u32 s5, $0x1;
	s5 =	sadd.s32 s21, s3  }
0x9d: {  	[timem:s7], [sflag:s22] =	dma.local [hbm:s5], s20  }
0x9e: {  	_ =	swait.ge [sflag:s22], s20  }
0x9f: {  	s4 =	ssub.s32 $0x0, s20;
	[sflag:s22] =	ssyncset.done $0x0  }
0xa0: {  	[sflag:s22] =	ssyncadd.s32 s4;
	_ =	sdelay $0x1  }
0xa1: {  	s23 =	simm.s32 $0x1B8B  }
0xa2: {  	_ =	swait.ge [sflag:s23], $0x1  }
0xa3: {  	[sflag:s23] =	ssyncset.done $0x0  }
0xa4: {  	s25 =	simm.s32 $0x1B8E;
	s24 =	sld [smem:$0x3FFE];
	[sflag:s23] =	ssyncadd.s32 $0xFFFFFFFF  }
0xa5: {  	s26 =	simm.s32 $execute0_lowered;
	[smem:$0x3FD2] =	sst s25  }
0xa6: {  	s5 =	sshll.u32 s26, $0x1;
	_ =	strace $0x80000046;
	[dreg:$0x1] =	wrdreg $0xFFFFFFFF  }
0xa7: {  	s28 =	simm.s32 $_size_execute0_lowered;
	s3 =	sadd.s32 s3, s5;
	[dreg:$0x0] =	wrdreg $0x0  }
0xa8: {  	s5 =	sshll.u32 s28, $0x1;
	[dreg:$0x2] =	wrdreg s3  }
0xa9: {  	[dreg:$0x3] =	wrdreg s5  }
0xaa: {  	[dreg:$0x4] =	wrdreg $0xC0  }
0xab: {  	_ =	task [dreg:s7], $0x5FFFF  }
0xac: {  	[dreg:$0x1] =	wrdreg $0xFFFFFFFF  }
0xad: {  	[dreg:$0x0] =	wrdreg $0x60  }
0xae: {  	[dreg:$0x2] =	wrdreg s2  }
0xaf: {  	[dreg:$0x3] =	wrdreg s24  }
0xb0: {  	[dreg:$0x4] =	wrdreg $0x9  }
0xb1: {  	_ =	task.clear_ibuf [dreg:s7], $0x5FFFF;
	_ =	strace $0x90000046  }
0xb2: {  	s29 =	simm.s32 $0x9;
	_ =	strace $0x80000048  }
0xb3: {  	_ =	swait.ge [sflag:s29], $0x1  }
0xb4: {  	[sflag:s29] =	ssyncadd.s32 $0xFFFFFFFF  }
0xb5: {  	_ =	strace $0x90000048  }
0xb6: {  	_ =	sfence  }
0xb7: {  	s30 =	sld [smem:$0x0];
	_ =	sdelay $0x2  }
0xb8: {  	s31 =	sshll.u32 s1, $0xD;
	s1 =	sshrl.u32 s1, $0x2  }
0xb9: {  	s3 =	sand.u32 $0x4000, s31;
	s1 =	sadd.s32 s1, s30  }
0xba: {  	s0 =	sor.u32 s3, s0;
	s1 =	sshll.u32 s1, $0x11  }
0xbb: {  	s0 =	sor.u32 s1, s0  }
0xbc: {  	s0 =	sadd.s32 $0x8F2B, s0  }
0xbd: {  	[sflag:s0] =	ssyncadd.remote.s32 $0x1  }
0xbe: {  	_ =	sfence.sel $0xFFFF  }
0xbf: {  	[dreg:$0x0] =	wrdreg $0xFFFFFFFF;
	(pc) =	sbr.abs _section_cstart, $3  }
0xc0: {  	[dreg:$0x1] =	wrdreg $0xFFFFFFFF  }
0xc1: {  	_ =	task.clear_ibuf [dreg:s7], $0x2FFFF;
	_ =	strace $0x9FFFFFFF  }
0xc2: {  	(tm) =	ssettm $0x7FFFFFFF  }
0xc3: {  	_ =	shalt  }
tec
execute0_lowered:
.L_overlay_start_1:
0x0: {  	(tag) =	ssettag $0x1  }
0x1: {  	v0 =	vimm.s32 $0x0;
	vm0 =	vcmask $0x704  }
0x2: {  	vm4 =	vcmask $0xB08;
	s6 =	rddreg [dreg:$0x0];
	v0 =	vsel vm0, $0x2710, v0  }
0x3: {  	vm5 =	vcmask $0xF0C;
	s7 =	rddreg [dreg:$0x1];
	v0 =	vsel vm4, $0x4E20, v0  }
0x4: {  	vm6 =	vcmask $0x1310;
	s0 =	rddreg [dreg:$0x2];
	v0 =	vsel vm5, $0x7530, v0  }
0x5: {  	vm7 =	vcmask $0x1714;
	s3 =	srdreg.scid;
	s1 =	stileid.u32;
	s2 =	simm.s32 $0x0;
	v0 =	vsel vm6, $0x9C40, v0  }
0x6: {  	vm8 =	vcmask $0x1B18;
	s12 =	simm.s32 $0x13880;
	s13 =	simm.s32 $0x16A80;
	s14 =	simm.s32 $0x1;
	v0 =	vsel vm7, $0xC350, v0  }
0x7: {  	vm9 =	vcmask $0x231C;
	vm10 =	vcmask $0x2724;
	s15 =	simm.s32 $0x2;
	s16 =	simm.s32 $0x15180;
	s17 =	simm.s32 $0x18380;
	v0 =	vsel vm8, $0xEA60, v0  }
0x8: {  	vm11 =	vcmask $0x2B28;
	v10 =	vlaneseq.u32;
	s18 =	simm.s32 $0x19C80;
	s19 =	simm.s32 $0x190;
	s20 =	simm.s32 $0x2710;
	v0 =	vsel vm9, $0x11170, v0  }
0x9: {  	vm12 =	vcmask $0x2F2C;
	s21 =	simm.s32 $0x0;
	s5 =	sand.u32 $0x1, s3;
	s30 =	sshll.u32 s1, $0x1;
	v9 =	vmul.u32 $0xFFFFFFFF, v10;
	v0 =	vsel vm10, $0xEA60, v0  }
0xa: {  	vm13 =	vcmask $0x3330;
	vm14 =	vcmask $0x3734;
	[smem:$0x7FF] =	sst s2;
	s4 =	sadd.s32 $0xC00, s7;
	s8 =	sor.u32 s5, s30;
	v0 =	vsel vm11, $0xC350, v0  }
0xb: {  	vm15 =	vcmask $0x3B38;
	_ =	strace $0x80000047;
	s9 =	ssub.s32 $0x2, s5;
	s3 =	smul.u32 $0x13880, s8;
	v9 =	vadd.s32 $0xF, v9;
	v0 =	vsel vm12, $0x9C40, v0  }
0xc: {  	s5 =	sadd.s32 $0xAA00, s7;
	s8 =	smul.u32 $0x2710, s8;
	s10 =	sshrl.u32 s9, $0x1;
	v1 =	vsel vm13, $0x7530, v0;
	v0 =	vshrl.u32 v10, $0x3;
	v10 =	vmul.u32 $0x190, v10  }
0xd: {  	s7 =	sadd.s32 $0x5A20, s7;
	s10 =	ssub.s32 s9, s10;
	s11 =	sshrl.u32 s3, $0x3;
	v1 =	vsel vm14, $0x4E20, v1;
	v2 =	vor.u32 $0x2, v0;
	v3 =	vor.u32 $0x4, v0  }
0xe: {  	s6 =	sadd.s32 s6, s8;
	s8 =	sadd.s32 $0x190, s3;
	s31 =	sadd.s32 s5, s11;
	v4 =	vor.u32 $0x6, v0;
	v5 =	vor.u32 $0x8, v0;
	v6 =	vor.u32 $0xA, v0  }
0xf: {  	s10 =	smax.u32 s10, $0x1;
	s11 =	simm.s32 $0x3;
	s9 =	sadd.s32 $0x4B0, s31;
	v7 =	vor.u32 $0xC, v0;
	v8 =	vor.u32 $0xE, v0;
	v1 =	vsel vm15, $0x2710, v1  }
.LBB2_1:
0x10: {  	[tilespmem:s2], [sflag:$0x3] =	stream.linear.gather [hbm4b:s6+s2], $0x13880, $0x38;
	[tilespmem:$0x1A900] =	vst v63  }
0x11: {  	_ =	swait.ge [sflag:s11], $0x13880  }
0x12: {  	[sflag:s11] =	ssyncset.done $0x0  }
0x13: {  	[sflag:s11] =	ssyncadd.s32 $0xFFFEC780  }
0x14: {  	[tilespmem:s12], [sflag:$0x1] =	stream.linear.gather [hbm4b:s4+s2], $0x1900, $0x38;
	[tilespmem:$0x1A900] =	vst v63  }
0x15: {  	s22 =	simm.s32 $0x0  }
0x16: {  	[tilespmem:s13], [sflag:$0x2] =	stream.linear.gather [hbm4b:s7+s2], $0x1900, $0x38;
	[tilespmem:$0x1A900] =	vst v63  }
.LBB2_2:
0x17: {  	_ =	swait.ge [sflag:s14], $0x1900  }
0x18: {  	s23 =	smul.u32 $0x3200, s22;
	[sflag:s14] =	ssyncset.done $0x0  }
0x19: {  	[sflag:s14] =	ssyncadd.s32 $0xFFFFE700  }
0x1a: {  	s23 =	sshrl.u32 s23, $0x3;
	_ =	swait.ge [sflag:s15], $0x1900  }
0x1b: {  	s23 =	sadd.s32 s4, s23;
	[sflag:s15] =	ssyncset.done $0x0  }
0x1c: {  	s24 =	simm.s32 $0x0;
	s25 =	sadd.s32 $0x320, s23;
	[sflag:s15] =	ssyncadd.s32 $0xFFFFE700  }
0x1d: {  	[tilespmem:s16], [sflag:$0x1] =	stream.linear.gather [hbm4b:s25+s24], $0x1900, $0x38;
	[tilespmem:$0x1A900] =	vst v63  }
0x1e: {  	s30 =	simm.s32 $0x13890;
	s29 =	sadd.s32 $0x5140, s23  }
0x1f: {  	[tilespmem:s17], [sflag:$0x2] =	stream.linear.gather [hbm4b:s29+s24], $0x1900, $0x38;
	[tilespmem:$0x1A900] =	vst v63  }
0x20: {  	v11 =	vld [tilespmem:s30+$0x0];
	_ =	sdelay $0x4  }
0x21: {  	v12 =	vperm.xlane v11, v8  }
0x22: {  	s26 =	simm.s32 $0x16A90;
	v13 =	vperm.xlane v11, v7  }
0x23: {  	v14 =	vld [tilespmem:s26+$0x0];
	v15 =	vperm.xlane v11, v6;
	v12 =	vadd.s32 v1, v12  }
0x24: {  	v16 =	vperm.xlane v11, v5;
	v13 =	vadd.s32 v1, v13  }
0x25: {  	v17 =	vperm.xlane v11, v4;
	v15 =	vadd.s32 v1, v15  }
0x26: {  	v18 =	vld [tilespmem:s30+$0xFFFFFFF0];
	v19 =	vperm.xlane v11, v3;
	v16 =	vadd.s32 v1, v16  }
0x27: {  	v20 =	vld [tilespmem:s26+$0xFFFFFFF0];
	v21 =	vperm.xlane v11, v0;
	v17 =	vadd.s32 v1, v17  }
0x28: {  	v22 =	vperm.xlane v14, v0;
	v19 =	vadd.s32 v1, v19;
	v12 =	vld.idx.msk [tilespmem:v12+s2+$0x0], $0xffff  }
0x29: {  	v11 =	vperm.xlane v11, v2;
	v21 =	vadd.s32 v1, v21;
	v13 =	vld.idx.msk [tilespmem:v13+s2+$0x0], $0xffff  }
0x2a: {  	v23 =	vperm.xlane v14, v2;
	v22 =	vadd.s32 v1, v22;
	v15 =	vld.idx.msk [tilespmem:v15+s2+$0x0], $0xffff  }
0x2b: {  	v24 =	vperm.xlane v14, v3;
	v11 =	vadd.s32 v1, v11;
	v16 =	vld.idx.msk [tilespmem:v16+s2+$0x0], $0xffff  }
0x2c: {  	v25 =	vperm.xlane v14, v4;
	v23 =	vadd.s32 v1, v23;
	v17 =	vld.idx.msk [tilespmem:v17+s2+$0x0], $0xffff  }
0x2d: {  	v26 =	vperm.xlane v14, v5;
	v24 =	vadd.s32 v1, v24;
	v19 =	vld.idx.msk [tilespmem:v19+s2+$0x0], $0xffff  }
0x2e: {  	v27 =	vperm.xlane v14, v6;
	v25 =	vadd.s32 v1, v25;
	v21 =	vld.idx.msk [tilespmem:v21+s2+$0x0], $0xffff  }
0x2f: {  	v28 =	vperm.xlane v14, v7;
	v26 =	vadd.s32 v1, v26;
	v22 =	vld.idx.msk [tilespmem:v22+s2+$0x0], $0xffff  }
0x30: {  	v14 =	vperm.xlane v14, v8;
	v27 =	vadd.s32 v1, v27;
	v11 =	vld.idx.msk [tilespmem:v11+s2+$0x0], $0xffff  }
0x31: {  	v29 =	vperm.xlane v18, v0;
	v30 =	vperm.xlane v18, v2;
	v28 =	vadd.s32 v1, v28;
	v23 =	vld.idx.msk [tilespmem:v23+s2+$0x0], $0xffff  }
0x32: {  	v31 =	vperm.xlane v20, v0;
	v32 =	vperm.xlane v18, v3;
	v14 =	vadd.s32 v1, v14;
	v24 =	vld.idx.msk [tilespmem:v24+s2+$0x0], $0xffff  }
0x33: {  	v33 =	vperm.xlane v20, v2;
	v34 =	vperm.xlane v18, v4;
	v29 =	vadd.s32 v1, v29;
	v25 =	vld.idx.msk [tilespmem:v25+s2+$0x0], $0xffff  }
0x34: {  	v35 =	vperm.xlane v20, v3;
	v36 =	vperm.xlane v20, v4;
	v31 =	vadd.s32 v1, v31;
	v26 =	vld.idx.msk [tilespmem:v26+s2+$0x0], $0xffff  }
0x35: {  	v37 =	vperm.xlane v18, v5;
	v38 =	vperm.xlane v20, v5;
	v30 =	vadd.s32 v1, v30;
	v27 =	vld.idx.msk [tilespmem:v27+s2+$0x0], $0xffff  }
0x36: {  	v39 =	vperm.xlane v18, v6;
	v62 =	vperm.xlane v20, v7;
	v28 =	vld.idx.msk [tilespmem:v28+s2+$0x0], $0xffff  }
0x37: {  	v32 =	vadd.s32 v1, v32;
	v33 =	vadd.s32 v1, v33;
	v35 =	vadd.s32 v1, v35;
	v14 =	vld.idx.msk [tilespmem:v14+s2+$0x0], $0xffff  }
0x38: {  	v34 =	vadd.s32 v1, v34;
	v36 =	vadd.s32 v1, v36;
	v37 =	vadd.s32 v1, v37;
	v29 =	vld.idx.msk [tilespmem:v29+s2+$0x0], $0xffff  }
0x39: {  	v38 =	vadd.s32 v1, v38;
	v63 =	vadd.s32 v1, v62;
	v21 =	vsub.f32 v21, v22;
	v22 =	vld.idx.msk [tilespmem:v31+s2+$0x0], $0xffff  }
0x3a: {  	s25 =	simm.s32 $0x138B0;
	v11 =	vsub.f32 v11, v23;
	v23 =	vperm.xlane v20, v6;
	v19 =	vsub.f32 v19, v24;
	v24 =	vld.idx.msk [tilespmem:v30+s2+$0x0], $0xffff  }
0x3b: {  	v31 =	vadd.s32 v1, v39;
	v30 =	vperm.xlane v18, v7;
	v17 =	vsub.f32 v17, v25;
	v25 =	vld [tilespmem:s25+$0x0]  }
0x3c: {  	v16 =	vsub.f32 v16, v26;
	v15 =	vsub.f32 v15, v27;
	v11 =	vmax.f32 v21, v11;
	v21 =	vld.idx.msk [tilespmem:v33+s2+$0x0], $0xffff  }
0x3d: {  	v18 =	vperm.xlane v18, v8;
	v13 =	vsub.f32 v13, v28;
	v11 =	vmax.f32 v11, v19;
	v19 =	vld.idx.msk [tilespmem:v32+s2+$0x0], $0xffff  }
0x3e: {  	s31 =	simm.s32 $0x1;
	v12 =	vsub.f32 v12, v14;
	v20 =	vperm.xlane v20, v8;
	v11 =	vmax.f32 v11, v17;
	v17 =	vld.idx.msk [tilespmem:v35+s2+$0x0], $0xffff  }
0x3f: {  	v27 =	vld.idx.msk [tilespmem:v34+s2+$0x0], $0xffff;
	v26 =	vadd.s32 v1, v23;
	v11 =	vmax.f32 v11, v16;
	v16 =	vmov s31  }
0x40: {  	v28 =	vadd.s32 v1, v30;
	v11 =	vmax.f32 v11, v15;
	v15 =	vld.idx.msk [tilespmem:v36+s2+$0x0], $0xffff;
	v14 =	vand.u32 $0x1FF, v16  }
0x41: {  	v16 =	vld [tilespmem:s25+$0xFFFFFFF0];
	v11 =	vmax.f32 v11, v13;
	v30 =	vadd.s32 v10, v14;
	v21 =	vsub.f32 v24, v21  }
0x42: {  	v14 =	vld.idx.msk [tilespmem:v37+s2+$0x0], $0xffff;
	v24 =	vadd.s32 v1, v20;
	v11 =	vmax.f32 v11, v12;
	v12 =	vsub.f32 v29, v22  }
0x43: {  	s26 =	simm.s32 $0x16AB0;
	v20 =	vperm.xlane v25, v8;
	v13 =	vperm.xlane v11, v9;
	v17 =	vsub.f32 v19, v17;
	v19 =	vld.idx.msk [tilespmem:v38+s2+$0x0], $0xffff  }
0x44: {  	v23 =	vadd.s32 v1, v18;
	v32 =	vperm.xlane v25, v5;
	v12 =	vmax.f32 v12, v21;
	v21 =	vld [tilespmem:s26+$0xFFFFFFF0]  }
0x45: {  	v33 =	vperm.xlane v25, v4;
	v29 =	vadd.s32 v1, v20;
	v11 =	vmax.f32 v11, v13;
	v13 =	vld.idx.msk [tilespmem:v31+s2+$0x0], $0xffff  }
0x46: {  	v18 =	vsub.f32 v27, v15;
	v15 =	vld.idx.msk [tilespmem:v26+s2+$0x0], $0xffff;
	[tilespmem:v30+s18+$0x0] =	vst.idx.msk $0xff, v11;
	v30 =	vperm.xlane v25, v7  }
0x47: {  	v17 =	vmax.f32 v12, v17;
	v22 =	vperm.xlane v16, v0;
	v26 =	vld [tilespmem:s26+$0x0];
	v31 =	vperm.xlane v25, v6  }
0x48: {  	v12 =	vld.idx.msk [tilespmem:v28+s2+$0x0], $0xffff;
	v28 =	vperm.xlane v16, v2;
	v27 =	vperm.xlane v16, v3;
	v30 =	vadd.s32 v1, v30  }
0x49: {  	s28 =	simm.s32 $0x4;
	v20 =	vld.idx.msk [tilespmem:v63+s2+$0x0], $0xffff;
	v11 =	vmov s24;
	s24 =	simm.s32 $0x2;
	v22 =	vadd.s32 v1, v22;
	v31 =	vadd.s32 v1, v31  }
.LBB2_3:
0x4a: {  	p0 =	slt.u32 s28, $0x18E;
	v28 =	vadd.s32 v1, v28;
	v34 =	vperm.xlane v25, v3;
	v32 =	vadd.s32 v1, v32;
	v35 =	vld.idx.msk [tilespmem:v23+s2+$0x0], $0xffff  }
0x4b: {  	v23 =	vperm.xlane v16, v4;
	v36 =	vperm.xlane v25, v0;
	v33 =	vadd.s32 v1, v33;
	v37 =	vld.idx.msk [tilespmem:v24+s2+$0x0], $0xffff  }
0x4c: {  	v27 =	vadd.s32 v1, v27;
	v24 =	vperm.xlane v26, v0;
	v34 =	vadd.s32 v1, v34;
	v29 =	vld.idx.msk [tilespmem:v29+s2+$0x0], $0xffff  }
0x4d: {  	v25 =	vperm.xlane v25, v2;
	v36 =	vadd.s32 v1, v36;
	v38 =	vperm.xlane v21, v0;
	v30 =	vld.idx.msk [tilespmem:v30+s2+$0x0], $0xffff  }
0x4e: {  	v40 =	vperm.xlane v26, v2;
	v39 =	vperm.xlane v21, v2;
	v24 =	vadd.s32 v1, v24;
	v31 =	vld.idx.msk [tilespmem:v31+s2+$0x0], $0xffff  }
0x4f: {  	v25 =	vadd.s32 v1, v25;
	v42 =	vperm.xlane v26, v3;
	v41 =	vperm.xlane v21, v3;
	v32 =	vld.idx.msk [tilespmem:v32+s2+$0x0], $0xffff  }
0x50: {  	v43 =	vperm.xlane v26, v4;
	v40 =	vadd.s32 v1, v40;
	v38 =	vadd.s32 v1, v38;
	v33 =	vld.idx.msk [tilespmem:v33+s2+$0x0], $0xffff  }
0x51: {  	v44 =	vperm.xlane v26, v5;
	v42 =	vadd.s32 v1, v42;
	v39 =	vadd.s32 v1, v39;
	v34 =	vld.idx.msk [tilespmem:v34+s2+$0x0], $0xffff  }
0x52: {  	v46 =	vperm.xlane v26, v6;
	v45 =	vperm.xlane v21, v4;
	v43 =	vadd.s32 v1, v43;
	v36 =	vld.idx.msk [tilespmem:v36+s2+$0x0], $0xffff  }
0x53: {  	v47 =	vperm.xlane v26, v7;
	v44 =	vadd.s32 v1, v44;
	v41 =	vadd.s32 v1, v41;
	v24 =	vld.idx.msk [tilespmem:v24+s2+$0x0], $0xffff  }
0x54: {  	v48 =	vperm.xlane v16, v5;
	v26 =	vperm.xlane v26, v8;
	v46 =	vadd.s32 v1, v46;
	v25 =	vld.idx.msk [tilespmem:v25+s2+$0x0], $0xffff  }
0x55: {  	v49 =	vadd.s32 v1, v23;
	v23 =	vperm.xlane v21, v5;
	v47 =	vadd.s32 v1, v47;
	v40 =	vld.idx.msk [tilespmem:v40+s2+$0x0], $0xffff  }
0x56: {  	v50 =	vperm.xlane v16, v6;
	v26 =	vadd.s32 v1, v26;
	v45 =	vadd.s32 v1, v45;
	v42 =	vld.idx.msk [tilespmem:v42+s2+$0x0], $0xffff  }
0x57: {  	v48 =	vadd.s32 v1, v48;
	v51 =	vadd.s32 v1, v23;
	v23 =	vperm.xlane v21, v6;
	v43 =	vld.idx.msk [tilespmem:v43+s2+$0x0], $0xffff  }
0x58: {  	v52 =	vperm.xlane v16, v7;
	v50 =	vadd.s32 v1, v50;
	v53 =	vperm.xlane v21, v7;
	v44 =	vld.idx.msk [tilespmem:v44+s2+$0x0], $0xffff  }
0x59: {  	v16 =	vperm.xlane v16, v8;
	v21 =	vperm.xlane v21, v8;
	v54 =	vadd.s32 v1, v23;
	v46 =	vld.idx.msk [tilespmem:v46+s2+$0x0], $0xffff  }
0x5a: {  	v14 =	vsub.f32 v14, v19;
	v52 =	vadd.s32 v1, v52;
	v53 =	vadd.s32 v1, v53;
	v47 =	vld.idx.msk [tilespmem:v47+s2+$0x0], $0xffff  }
0x5b: {  	v23 =	vadd.s32 v1, v16;
	v16 =	vsub.f32 v36, v24;
	v19 =	vsub.f32 v25, v40;
	v25 =	vld.idx.msk [tilespmem:v26+s2+$0x0], $0xffff  }
0x5c: {  	v17 =	vmax.f32 v17, v18;
	v24 =	vadd.s32 v1, v21;
	v21 =	vsub.f32 v34, v42;
	v22 =	vld.idx.msk [tilespmem:v22+s2+$0x0], $0xffff  }
0x5d: {  	v13 =	vsub.f32 v13, v15;
	v16 =	vmax.f32 v16, v19;
	v19 =	vsub.f32 v33, v43;
	v18 =	vld.idx.msk [tilespmem:v38+s2+$0x0], $0xffff  }
0x5e: {  	v14 =	vmax.f32 v17, v14;
	v16 =	vmax.f32 v16, v21;
	v21 =	vsub.f32 v32, v44;
	v15 =	vld.idx.msk [tilespmem:v28+s2+$0x0], $0xffff  }
0x5f: {  	s29 =	sadd.s32 $0x1, s24;
	v12 =	vsub.f32 v12, v20;
	v16 =	vmax.f32 v16, v19;
	v19 =	vsub.f32 v31, v46;
	v17 =	vld.idx.msk [tilespmem:v39+s2+$0x0], $0xffff  }
0x60: {  	v26 =	vmov s29;
	v16 =	vmax.f32 v16, v21;
	v21 =	vsub.f32 v30, v47;
	v20 =	vld.idx.msk [tilespmem:v27+s2+$0x0], $0xffff  }
0x61: {  	v16 =	vmax.f32 v16, v19;
	v19 =	vsub.f32 v29, v25;
	v25 =	vand.u32 $0x1FF, v26;
	v27 =	vld.idx.msk [tilespmem:v41+s2+$0x0], $0xffff  }
0x62: {  	v13 =	vmax.f32 v14, v13;
	v16 =	vmax.f32 v16, v21;
	v21 =	vadd.s32 v10, v25;
	v26 =	vld.idx.msk [tilespmem:v49+s2+$0x0], $0xffff  }
0x63: {  	s25 =	sadd.s32 $0x20, s25;
	v14 =	vsub.f32 v35, v37;
	v18 =	vsub.f32 v22, v18;
	v19 =	vmax.f32 v16, v19;
	v22 =	vld.idx.msk [tilespmem:v45+s2+$0x0], $0xffff  }
0x64: {  	v11 =	vand.u32 $0x1FE, v11;
	v12 =	vmax.f32 v13, v12;
	v28 =	vperm.xlane v19, v9;
	v25 =	vld [tilespmem:s25+$0x0]  }
0x65: {  	v12 =	vmax.f32 v12, v14;
	v29 =	vadd.s32 v10, v11;
	v13 =	vsub.f32 v15, v17;
	v16 =	vld [tilespmem:s25+$0xFFFFFFF0]  }
0x66: {  	v15 =	vperm.xlane v12, v9;
	v11 =	vmax.f32 v19, v28;
	v14 =	vld.idx.msk [tilespmem:v48+s2+$0x0], $0xffff  }
0x67: {  	v17 =	vmax.f32 v18, v13;
	v18 =	vsub.f32 v20, v27;
	v19 =	vld.idx.msk [tilespmem:v51+s2+$0x0], $0xffff;
	[tilespmem:v21+s18+$0x0] =	vst.idx.msk $0xff, v11  }
0x68: {  	v20 =	vmax.f32 v12, v15;
	v13 =	vld.idx.msk [tilespmem:v50+s2+$0x0], $0xffff  }
.Ltmp0:
0x69: {  	v17 =	vmax.f32 v17, v18;
	v18 =	vsub.f32 v26, v22;
	v21 =	vperm.xlane v25, v8;
	v15 =	vld.idx.msk [tilespmem:v54+s2+$0x0], $0xffff;
	(pc) =	sbr.rel @p0 .LBB2_3-.Ltmp0, $4  }
0x6a: {  	s26 =	sadd.s32 $0x20, s26;
	v11 =	vmov s24;
	s24 =	smov.u32 s28;
	v30 =	vperm.xlane v25, v7;
	v22 =	vperm.xlane v16, v0;
	v12 =	vld.idx.msk [tilespmem:v52+s2+$0x0], $0xffff;
	[tilespmem:v29+s18+$0x0] =	vst.idx.msk $0xff, v20  }
0x6b: {  	v28 =	vperm.xlane v16, v2;
	v20 =	vperm.xlane v25, v6;
	v26 =	vld [tilespmem:s26+$0x0];
	v29 =	vadd.s32 v1, v21  }
0x6c: {  	v32 =	vperm.xlane v25, v5;
	v27 =	vperm.xlane v16, v3;
	v30 =	vadd.s32 v1, v30;
	v21 =	vld [tilespmem:s26+$0xFFFFFFF0]  }
0x6d: {  	s28 =	sadd.s32 $0x2, s28;
	v33 =	vperm.xlane v25, v4;
	v22 =	vadd.s32 v1, v22;
	v31 =	vadd.s32 v1, v20;
	v20 =	vld.idx.msk [tilespmem:v53+s2+$0x0], $0xffff  }
0x6e: {  	_ =	sdelay $0x3  }
0x6f: {  	v23 =	vld.idx.msk [tilespmem:v23+s2+$0x0], $0xffff  }
0x70: {  	v32 =	vadd.s32 v1, v32;
	v24 =	vld.idx.msk [tilespmem:v24+s2+$0x0], $0xffff  }
0x71: {  	v29 =	vld.idx.msk [tilespmem:v29+s2+$0x0], $0xffff;
	v28 =	vadd.s32 v1, v28  }
0x72: {  	v34 =	vperm.xlane v25, v3;
	v30 =	vld.idx.msk [tilespmem:v30+s2+$0x0], $0xffff;
	v27 =	vadd.s32 v1, v27  }
0x73: {  	v35 =	vperm.xlane v25, v0;
	v31 =	vld.idx.msk [tilespmem:v31+s2+$0x0], $0xffff;
	v33 =	vadd.s32 v1, v33  }
0x74: {  	v25 =	vperm.xlane v25, v2;
	v22 =	vld.idx.msk [tilespmem:v22+s2+$0x0], $0xffff;
	v34 =	vadd.s32 v1, v34  }
0x75: {  	v46 =	vperm.xlane v16, v4;
	v35 =	vadd.s32 v1, v35;
	v32 =	vld.idx.msk [tilespmem:v32+s2+$0x0], $0xffff  }
0x76: {  	v48 =	vperm.xlane v16, v5;
	v25 =	vadd.s32 v1, v25;
	v28 =	vld.idx.msk [tilespmem:v28+s2+$0x0], $0xffff  }
0x77: {  	v50 =	vperm.xlane v16, v6;
	v46 =	vadd.s32 v1, v46;
	v27 =	vld.idx.msk [tilespmem:v27+s2+$0x0], $0xffff  }
0x78: {  	v52 =	vperm.xlane v16, v7;
	v16 =	vperm.xlane v16, v8;
	v48 =	vadd.s32 v1, v48;
	v33 =	vld.idx.msk [tilespmem:v33+s2+$0x0], $0xffff  }
0x79: {  	v36 =	vperm.xlane v26, v0;
	v50 =	vadd.s32 v1, v50;
	v34 =	vld.idx.msk [tilespmem:v34+s2+$0x0], $0xffff  }
0x7a: {  	v37 =	vperm.xlane v26, v2;
	v16 =	vadd.s32 v1, v16;
	v35 =	vld.idx.msk [tilespmem:v35+s2+$0x0], $0xffff  }
0x7b: {  	v38 =	vperm.xlane v26, v3;
	v36 =	vadd.s32 v1, v36;
	v25 =	vld.idx.msk [tilespmem:v25+s2+$0x0], $0xffff  }
0x7c: {  	v39 =	vperm.xlane v26, v4;
	v37 =	vadd.s32 v1, v37;
	v46 =	vld.idx.msk [tilespmem:v46+s2+$0x0], $0xffff  }
0x7d: {  	v13 =	vsub.f32 v13, v15;
	v40 =	vperm.xlane v26, v5;
	v38 =	vadd.s32 v1, v38;
	v15 =	vld.idx.msk [tilespmem:v48+s2+$0x0], $0xffff  }
0x7e: {  	v41 =	vperm.xlane v26, v6;
	v39 =	vadd.s32 v1, v39;
	v12 =	vsub.f32 v12, v20;
	v20 =	vld.idx.msk [tilespmem:v50+s2+$0x0], $0xffff  }
0x7f: {  	v42 =	vperm.xlane v26, v7;
	v40 =	vadd.s32 v1, v40;
	v16 =	vld.idx.msk [tilespmem:v16+s2+$0x0], $0xffff  }
0x80: {  	v26 =	vperm.xlane v26, v8;
	v41 =	vadd.s32 v1, v41;
	v36 =	vld.idx.msk [tilespmem:v36+s2+$0x0], $0xffff  }
0x81: {  	v43 =	vperm.xlane v21, v0;
	v42 =	vadd.s32 v1, v42;
	v37 =	vld.idx.msk [tilespmem:v37+s2+$0x0], $0xffff  }
0x82: {  	v44 =	vperm.xlane v21, v2;
	v26 =	vadd.s32 v1, v26;
	v38 =	vld.idx.msk [tilespmem:v38+s2+$0x0], $0xffff  }
0x83: {  	v14 =	vsub.f32 v14, v19;
	v45 =	vperm.xlane v21, v3;
	v43 =	vadd.s32 v1, v43;
	v39 =	vld.idx.msk [tilespmem:v39+s2+$0x0], $0xffff  }
0x84: {  	v17 =	vmax.f32 v17, v18;
	v47 =	vperm.xlane v21, v4;
	v44 =	vadd.s32 v1, v44;
	v40 =	vld.idx.msk [tilespmem:v40+s2+$0x0], $0xffff  }
0x85: {  	v11 =	vand.u32 $0x1FE, v11;
	v49 =	vperm.xlane v21, v5;
	v45 =	vadd.s32 v1, v45;
	v41 =	vld.idx.msk [tilespmem:v41+s2+$0x0], $0xffff  }
0x86: {  	v51 =	vperm.xlane v21, v6;
	v53 =	vperm.xlane v21, v7;
	v47 =	vadd.s32 v1, v47;
	v42 =	vld.idx.msk [tilespmem:v42+s2+$0x0], $0xffff  }
0x87: {  	v49 =	vadd.s32 v1, v49;
	v26 =	vld.idx.msk [tilespmem:v26+s2+$0x0], $0xffff;
	v35 =	vsub.f32 v35, v36;
	v25 =	vsub.f32 v25, v37  }
0x88: {  	v21 =	vperm.xlane v21, v8;
	v51 =	vadd.s32 v1, v51;
	v43 =	vld.idx.msk [tilespmem:v43+s2+$0x0], $0xffff;
	v34 =	vsub.f32 v34, v38  }
0x89: {  	v53 =	vadd.s32 v1, v53;
	v44 =	vld.idx.msk [tilespmem:v44+s2+$0x0], $0xffff;
	v33 =	vsub.f32 v33, v39;
	v25 =	vmax.f32 v35, v25  }
0x8a: {  	v52 =	vadd.s32 v1, v52;
	v19 =	vld.idx.msk [tilespmem:v45+s2+$0x0], $0xffff;
	v32 =	vsub.f32 v32, v40;
	v25 =	vmax.f32 v25, v34  }
0x8b: {  	v21 =	vadd.s32 v1, v21;
	v18 =	vld.idx.msk [tilespmem:v47+s2+$0x0], $0xffff;
	v31 =	vsub.f32 v31, v41;
	v25 =	vmax.f32 v25, v33  }
0x8c: {  	v14 =	vmax.f32 v17, v14;
	v17 =	vld.idx.msk [tilespmem:v49+s2+$0x0], $0xffff;
	v30 =	vsub.f32 v30, v42;
	v25 =	vmax.f32 v25, v32  }
0x8d: {  	v11 =	vadd.s32 v10, v11;
	v51 =	vld.idx.msk [tilespmem:v51+s2+$0x0], $0xffff;
	v26 =	vsub.f32 v29, v26;
	v25 =	vmax.f32 v25, v31  }
0x8e: {  	v13 =	vmax.f32 v14, v13;
	v23 =	vsub.f32 v23, v24;
	v14 =	vld.idx.msk [tilespmem:v53+s2+$0x0], $0xffff;
	v25 =	vmax.f32 v25, v30  }
0x8f: {  	s25 =	sadd.s32 $0x1, s24;
	v22 =	vsub.f32 v22, v43;
	v31 =	vld.idx.msk [tilespmem:v52+s2+$0x0], $0xffff;
	v25 =	vmax.f32 v25, v26;
	v26 =	vsub.f32 v28, v44  }
0x90: {  	v12 =	vmax.f32 v13, v12;
	v50 =	vmov s25;
	v21 =	vld.idx.msk [tilespmem:v21+s2+$0x0], $0xffff;
	v19 =	vsub.f32 v27, v19  }
0x91: {  	v12 =	vmax.f32 v12, v23;
	v18 =	vsub.f32 v46, v18;
	v13 =	vmax.f32 v22, v26  }
0x92: {  	v29 =	vand.u32 $0x1FF, v50;
	v15 =	vsub.f32 v15, v17;
	v13 =	vmax.f32 v13, v19  }
0x93: {  	v29 =	vadd.s32 v10, v29;
	v17 =	vsub.f32 v20, v51;
	v13 =	vmax.f32 v13, v18  }
0x94: {  	v14 =	vsub.f32 v31, v14;
	v18 =	vmov s24;
	v13 =	vmax.f32 v13, v15  }
0x95: {  	v15 =	vsub.f32 v16, v21;
	v16 =	vand.u32 $0x1FE, v18;
	v13 =	vmax.f32 v13, v17  }
0x96: {  	v24 =	vperm.xlane v25, v9;
	v13 =	vmax.f32 v13, v14;
	v14 =	vadd.s32 v10, v16  }
0x97: {  	s24 =	smul.u32 $0x320, s22;
	v16 =	vperm.xlane v12, v9;
	v13 =	vmax.f32 v13, v15  }
0x98: {  	v15 =	vmax.f32 v25, v24;
	v17 =	vperm.xlane v13, v9  }
0x99: {  	s30 =	sadd.s32 s3, s24;
	[tilespmem:v29+s18+$0x0] =	vst.idx.msk $0xff, v15;
	v12 =	vmax.f32 v12, v16  }
0x9a: {  	s25 =	sshrl.u32 s30, $0x3;
	[tilespmem:v11+s18+$0x0] =	vst.idx.msk $0xff, v12;
	v11 =	vmax.f32 v13, v17  }
0x9b: {  	s25 =	sadd.s32 s5, s25;
	[tilespmem:v14+s18+$0x0] =	vst.idx.msk $0xff, v11  }
0x9c: {  	[hbm4b:s25+s19] =	stream.strided.scatter [tilespmem:s18], [sflag:$0x3], $0xC80, s20, s19, $0x38;
	[tilespmem:$0x1A900] =	vst v63  }
0x9d: {  	_ =	swait.ge [sflag:s11], $0xC80  }
0x9e: {  	[sflag:s11] =	ssyncset.done $0x0  }
0x9f: {  	[sflag:s11] =	ssyncadd.s32 $0xFFFFF380  }
0xa0: {  	_ =	swait.ge [sflag:s14], $0x1900  }
0xa1: {  	[sflag:s14] =	ssyncset.done $0x0  }
0xa2: {  	[sflag:s14] =	ssyncadd.s32 $0xFFFFE700  }
0xa3: {  	_ =	swait.ge [sflag:s15], $0x1900  }
0xa4: {  	[sflag:s15] =	ssyncset.done $0x0  }
0xa5: {  	s31 =	sadd.s32 $0x640, s23;
	s26 =	simm.s32 $0x0;
	[sflag:s15] =	ssyncadd.s32 $0xFFFFE700  }
0xa6: {  	[tilespmem:s12], [sflag:$0x1] =	stream.linear.gather [hbm4b:s31+s26], $0x1900, $0x38;
	[tilespmem:$0x1A900] =	vst v63  }
0xa7: {  	s29 =	simm.s32 $0x15190;
	s25 =	sadd.s32 $0x5460, s23  }
0xa8: {  	[tilespmem:s13], [sflag:$0x2] =	stream.linear.gather [hbm4b:s25+s26], $0x1900, $0x38;
	[tilespmem:$0x1A900] =	vst v63  }
0xa9: {  	v11 =	vld [tilespmem:s29+$0x0];
	_ =	sdelay $0x4  }
0xaa: {  	v12 =	vperm.xlane v11, v8  }
0xab: {  	s30 =	simm.s32 $0x18390;
	v13 =	vperm.xlane v11, v7  }
0xac: {  	v14 =	vld [tilespmem:s30+$0x0];
	v15 =	vperm.xlane v11, v6;
	v12 =	vadd.s32 v1, v12  }
0xad: {  	v16 =	vperm.xlane v11, v5;
	v13 =	vadd.s32 v1, v13  }
0xae: {  	v17 =	vperm.xlane v11, v4;
	v15 =	vadd.s32 v1, v15  }
0xaf: {  	v18 =	vld [tilespmem:s29+$0xFFFFFFF0];
	v19 =	vperm.xlane v11, v3;
	v16 =	vadd.s32 v1, v16  }
0xb0: {  	v20 =	vld [tilespmem:s30+$0xFFFFFFF0];
	v21 =	vperm.xlane v11, v0;
	v17 =	vadd.s32 v1, v17  }
0xb1: {  	v22 =	vperm.xlane v14, v0;
	v19 =	vadd.s32 v1, v19;
	v12 =	vld.idx.msk [tilespmem:v12+s2+$0x0], $0xffff  }
0xb2: {  	v11 =	vperm.xlane v11, v2;
	v21 =	vadd.s32 v1, v21;
	v13 =	vld.idx.msk [tilespmem:v13+s2+$0x0], $0xffff  }
0xb3: {  	v23 =	vperm.xlane v14, v2;
	v22 =	vadd.s32 v1, v22;
	v15 =	vld.idx.msk [tilespmem:v15+s2+$0x0], $0xffff  }
0xb4: {  	v24 =	vperm.xlane v14, v3;
	v11 =	vadd.s32 v1, v11;
	v16 =	vld.idx.msk [tilespmem:v16+s2+$0x0], $0xffff  }
0xb5: {  	v25 =	vperm.xlane v14, v4;
	v23 =	vadd.s32 v1, v23;
	v17 =	vld.idx.msk [tilespmem:v17+s2+$0x0], $0xffff  }
0xb6: {  	v26 =	vperm.xlane v14, v5;
	v24 =	vadd.s32 v1, v24;
	v19 =	vld.idx.msk [tilespmem:v19+s2+$0x0], $0xffff  }
0xb7: {  	v27 =	vperm.xlane v14, v6;
	v25 =	vadd.s32 v1, v25;
	v21 =	vld.idx.msk [tilespmem:v21+s2+$0x0], $0xffff  }
0xb8: {  	v28 =	vperm.xlane v14, v7;
	v26 =	vadd.s32 v1, v26;
	v22 =	vld.idx.msk [tilespmem:v22+s2+$0x0], $0xffff  }
0xb9: {  	v14 =	vperm.xlane v14, v8;
	v27 =	vadd.s32 v1, v27;
	v11 =	vld.idx.msk [tilespmem:v11+s2+$0x0], $0xffff  }
0xba: {  	v29 =	vperm.xlane v18, v0;
	v28 =	vadd.s32 v1, v28;
	v23 =	vld.idx.msk [tilespmem:v23+s2+$0x0], $0xffff  }
0xbb: {  	v31 =	vperm.xlane v20, v0;
	v14 =	vadd.s32 v1, v14;
	v24 =	vld.idx.msk [tilespmem:v24+s2+$0x0], $0xffff  }
0xbc: {  	v30 =	vperm.xlane v18, v2;
	v54 =	vperm.xlane v18, v3;
	v29 =	vadd.s32 v1, v29;
	v25 =	vld.idx.msk [tilespmem:v25+s2+$0x0], $0xffff  }
0xbd: {  	v55 =	vperm.xlane v20, v2;
	v56 =	vperm.xlane v18, v4;
	v31 =	vadd.s32 v1, v31;
	v26 =	vld.idx.msk [tilespmem:v26+s2+$0x0], $0xffff  }
0xbe: {  	v57 =	vperm.xlane v20, v3;
	v58 =	vperm.xlane v20, v4;
	v30 =	vadd.s32 v1, v30;
	v27 =	vld.idx.msk [tilespmem:v27+s2+$0x0], $0xffff  }
0xbf: {  	v59 =	vperm.xlane v18, v5;
	v60 =	vperm.xlane v20, v5;
	v34 =	vadd.s32 v1, v56;
	v28 =	vld.idx.msk [tilespmem:v28+s2+$0x0], $0xffff  }
0xc0: {  	v61 =	vperm.xlane v18, v6;
	v62 =	vperm.xlane v20, v7;
	v33 =	vadd.s32 v1, v55;
	v14 =	vld.idx.msk [tilespmem:v14+s2+$0x0], $0xffff  }
0xc1: {  	v32 =	vadd.s32 v1, v54;
	v35 =	vadd.s32 v1, v57;
	v36 =	vadd.s32 v1, v58;
	v29 =	vld.idx.msk [tilespmem:v29+s2+$0x0], $0xffff  }
0xc2: {  	v37 =	vadd.s32 v1, v59;
	v21 =	vsub.f32 v21, v22;
	v11 =	vsub.f32 v11, v23;
	v22 =	vld.idx.msk [tilespmem:v31+s2+$0x0], $0xffff  }
0xc3: {  	v38 =	vadd.s32 v1, v60;
	v63 =	vadd.s32 v1, v62;
	v19 =	vsub.f32 v19, v24;
	v24 =	vld.idx.msk [tilespmem:v30+s2+$0x0], $0xffff  }
0xc4: {  	v17 =	vsub.f32 v17, v25;
	v15 =	vsub.f32 v15, v27;
	v27 =	vld.idx.msk [tilespmem:v34+s2+$0x0], $0xffff;
	v11 =	vmax.f32 v21, v11  }
0xc5: {  	v23 =	vperm.xlane v20, v6;
	v16 =	vsub.f32 v16, v26;
	v21 =	vld.idx.msk [tilespmem:v33+s2+$0x0], $0xffff;
	v11 =	vmax.f32 v11, v19  }
0xc6: {  	v31 =	vadd.s32 v1, v61;
	v30 =	vperm.xlane v18, v7;
	v19 =	vld.idx.msk [tilespmem:v32+s2+$0x0], $0xffff;
	v11 =	vmax.f32 v11, v17  }
0xc7: {  	s31 =	simm.s32 $0x1;
	s25 =	simm.s32 $0x151B0;
	v18 =	vperm.xlane v18, v8;
	v13 =	vsub.f32 v13, v28;
	v17 =	vld.idx.msk [tilespmem:v35+s2+$0x0], $0xffff;
	v11 =	vmax.f32 v11, v16  }
0xc8: {  	v12 =	vsub.f32 v12, v14;
	v25 =	vld [tilespmem:s25+$0x0];
	v16 =	vmov s31;
	v11 =	vmax.f32 v11, v15  }
0xc9: {  	v26 =	vadd.s32 v1, v23;
	v15 =	vld.idx.msk [tilespmem:v36+s2+$0x0], $0xffff;
	v14 =	vand.u32 $0x1FF, v16;
	v11 =	vmax.f32 v11, v13  }
0xca: {  	v28 =	vadd.s32 v1, v30;
	v16 =	vld [tilespmem:s25+$0xFFFFFFF0];
	v30 =	vadd.s32 v10, v14;
	v11 =	vmax.f32 v11, v12  }
0xcb: {  	v20 =	vperm.xlane v20, v8;
	v21 =	vsub.f32 v24, v21;
	v14 =	vld.idx.msk [tilespmem:v37+s2+$0x0], $0xffff;
	v13 =	vperm.xlane v11, v9  }
0xcc: {  	v23 =	vadd.s32 v1, v18;
	v12 =	vsub.f32 v29, v22;
	v17 =	vsub.f32 v19, v17;
	v19 =	vld.idx.msk [tilespmem:v38+s2+$0x0], $0xffff  }
0xcd: {  	v32 =	vperm.xlane v25, v5;
	v24 =	vadd.s32 v1, v20;
	v11 =	vmax.f32 v11, v13;
	v13 =	vld.idx.msk [tilespmem:v31+s2+$0x0], $0xffff  }
0xce: {  	v20 =	vperm.xlane v25, v8;
	v12 =	vmax.f32 v12, v21;
	v18 =	vsub.f32 v27, v15;
	v15 =	vld.idx.msk [tilespmem:v26+s2+$0x0], $0xffff  }
0xcf: {  	v17 =	vmax.f32 v12, v17;
	v12 =	vld.idx.msk [tilespmem:v28+s2+$0x0], $0xffff;
	[tilespmem:v30+s18+$0x0] =	vst.idx.msk $0xff, v11;
	v30 =	vperm.xlane v25, v7;
	v11 =	vmov s26;
	s26 =	simm.s32 $0x183B0  }
0xd0: {  	v29 =	vadd.s32 v1, v20;
	v22 =	vperm.xlane v16, v0;
	v31 =	vperm.xlane v25, v6;
	v26 =	vld [tilespmem:s26+$0x0]  }
0xd1: {  	v33 =	vperm.xlane v25, v4;
	v28 =	vperm.xlane v16, v2;
	v21 =	vld [tilespmem:s26+$0xFFFFFFF0];
	v30 =	vadd.s32 v1, v30  }
0xd2: {  	s28 =	simm.s32 $0x4;
	s23 =	simm.s32 $0x2;
	v20 =	vld.idx.msk [tilespmem:v63+s2+$0x0], $0xffff;
	v27 =	vperm.xlane v16, v3;
	v22 =	vadd.s32 v1, v22;
	v31 =	vadd.s32 v1, v31  }
.LBB2_5:
0xd3: {  	p0 =	slt.u32 s28, $0x18E;
	v28 =	vadd.s32 v1, v28;
	v34 =	vperm.xlane v25, v3;
	v32 =	vadd.s32 v1, v32;
	v35 =	vld.idx.msk [tilespmem:v23+s2+$0x0], $0xffff  }
0xd4: {  	v23 =	vperm.xlane v16, v4;
	v36 =	vperm.xlane v25, v0;
	v33 =	vadd.s32 v1, v33;
	v37 =	vld.idx.msk [tilespmem:v24+s2+$0x0], $0xffff  }
0xd5: {  	v27 =	vadd.s32 v1, v27;
	v24 =	vperm.xlane v26, v0;
	v34 =	vadd.s32 v1, v34;
	v29 =	vld.idx.msk [tilespmem:v29+s2+$0x0], $0xffff  }
0xd6: {  	v25 =	vperm.xlane v25, v2;
	v36 =	vadd.s32 v1, v36;
	v38 =	vperm.xlane v21, v0;
	v30 =	vld.idx.msk [tilespmem:v30+s2+$0x0], $0xffff  }
0xd7: {  	v40 =	vperm.xlane v26, v2;
	v39 =	vperm.xlane v21, v2;
	v24 =	vadd.s32 v1, v24;
	v31 =	vld.idx.msk [tilespmem:v31+s2+$0x0], $0xffff  }
0xd8: {  	v25 =	vadd.s32 v1, v25;
	v42 =	vperm.xlane v26, v3;
	v41 =	vperm.xlane v21, v3;
	v32 =	vld.idx.msk [tilespmem:v32+s2+$0x0], $0xffff  }
0xd9: {  	v43 =	vperm.xlane v26, v4;
	v40 =	vadd.s32 v1, v40;
	v38 =	vadd.s32 v1, v38;
	v33 =	vld.idx.msk [tilespmem:v33+s2+$0x0], $0xffff  }
0xda: {  	v44 =	vperm.xlane v26, v5;
	v42 =	vadd.s32 v1, v42;
	v39 =	vadd.s32 v1, v39;
	v34 =	vld.idx.msk [tilespmem:v34+s2+$0x0], $0xffff  }
0xdb: {  	v46 =	vperm.xlane v26, v6;
	v45 =	vperm.xlane v21, v4;
	v43 =	vadd.s32 v1, v43;
	v36 =	vld.idx.msk [tilespmem:v36+s2+$0x0], $0xffff  }
0xdc: {  	v47 =	vperm.xlane v26, v7;
	v44 =	vadd.s32 v1, v44;
	v41 =	vadd.s32 v1, v41;
	v24 =	vld.idx.msk [tilespmem:v24+s2+$0x0], $0xffff  }
0xdd: {  	v48 =	vperm.xlane v16, v5;
	v26 =	vperm.xlane v26, v8;
	v46 =	vadd.s32 v1, v46;
	v25 =	vld.idx.msk [tilespmem:v25+s2+$0x0], $0xffff  }
0xde: {  	v49 =	vadd.s32 v1, v23;
	v23 =	vperm.xlane v21, v5;
	v47 =	vadd.s32 v1, v47;
	v40 =	vld.idx.msk [tilespmem:v40+s2+$0x0], $0xffff  }
0xdf: {  	v50 =	vperm.xlane v16, v6;
	v26 =	vadd.s32 v1, v26;
	v45 =	vadd.s32 v1, v45;
	v42 =	vld.idx.msk [tilespmem:v42+s2+$0x0], $0xffff  }
0xe0: {  	v48 =	vadd.s32 v1, v48;
	v51 =	vadd.s32 v1, v23;
	v23 =	vperm.xlane v21, v6;
	v43 =	vld.idx.msk [tilespmem:v43+s2+$0x0], $0xffff  }
0xe1: {  	v52 =	vperm.xlane v16, v7;
	v50 =	vadd.s32 v1, v50;
	v53 =	vperm.xlane v21, v7;
	v44 =	vld.idx.msk [tilespmem:v44+s2+$0x0], $0xffff  }
0xe2: {  	v16 =	vperm.xlane v16, v8;
	v21 =	vperm.xlane v21, v8;
	v54 =	vadd.s32 v1, v23;
	v46 =	vld.idx.msk [tilespmem:v46+s2+$0x0], $0xffff  }
0xe3: {  	v14 =	vsub.f32 v14, v19;
	v52 =	vadd.s32 v1, v52;
	v53 =	vadd.s32 v1, v53;
	v47 =	vld.idx.msk [tilespmem:v47+s2+$0x0], $0xffff  }
0xe4: {  	v23 =	vadd.s32 v1, v16;
	v16 =	vsub.f32 v36, v24;
	v19 =	vsub.f32 v25, v40;
	v25 =	vld.idx.msk [tilespmem:v26+s2+$0x0], $0xffff  }
0xe5: {  	v17 =	vmax.f32 v17, v18;
	v24 =	vadd.s32 v1, v21;
	v21 =	vsub.f32 v34, v42;
	v22 =	vld.idx.msk [tilespmem:v22+s2+$0x0], $0xffff  }
0xe6: {  	v13 =	vsub.f32 v13, v15;
	v16 =	vmax.f32 v16, v19;
	v19 =	vsub.f32 v33, v43;
	v18 =	vld.idx.msk [tilespmem:v38+s2+$0x0], $0xffff  }
0xe7: {  	v14 =	vmax.f32 v17, v14;
	v16 =	vmax.f32 v16, v21;
	v21 =	vsub.f32 v32, v44;
	v15 =	vld.idx.msk [tilespmem:v28+s2+$0x0], $0xffff  }
0xe8: {  	s29 =	sadd.s32 $0x1, s23;
	v12 =	vsub.f32 v12, v20;
	v16 =	vmax.f32 v16, v19;
	v19 =	vsub.f32 v31, v46;
	v17 =	vld.idx.msk [tilespmem:v39+s2+$0x0], $0xffff  }
0xe9: {  	v26 =	vmov s29;
	v16 =	vmax.f32 v16, v21;
	v21 =	vsub.f32 v30, v47;
	v20 =	vld.idx.msk [tilespmem:v27+s2+$0x0], $0xffff  }
0xea: {  	v16 =	vmax.f32 v16, v19;
	v19 =	vsub.f32 v29, v25;
	v25 =	vand.u32 $0x1FF, v26;
	v27 =	vld.idx.msk [tilespmem:v41+s2+$0x0], $0xffff  }
0xeb: {  	v13 =	vmax.f32 v14, v13;
	v16 =	vmax.f32 v16, v21;
	v21 =	vadd.s32 v10, v25;
	v26 =	vld.idx.msk [tilespmem:v49+s2+$0x0], $0xffff  }
0xec: {  	s25 =	sadd.s32 $0x20, s25;
	v14 =	vsub.f32 v35, v37;
	v18 =	vsub.f32 v22, v18;
	v19 =	vmax.f32 v16, v19;
	v22 =	vld.idx.msk [tilespmem:v45+s2+$0x0], $0xffff  }
0xed: {  	v11 =	vand.u32 $0x1FE, v11;
	v12 =	vmax.f32 v13, v12;
	v28 =	vperm.xlane v19, v9;
	v25 =	vld [tilespmem:s25+$0x0]  }
0xee: {  	v12 =	vmax.f32 v12, v14;
	v29 =	vadd.s32 v10, v11;
	v13 =	vsub.f32 v15, v17;
	v16 =	vld [tilespmem:s25+$0xFFFFFFF0]  }
0xef: {  	v15 =	vperm.xlane v12, v9;
	v11 =	vmax.f32 v19, v28;
	v14 =	vld.idx.msk [tilespmem:v48+s2+$0x0], $0xffff  }
0xf0: {  	v17 =	vmax.f32 v18, v13;
	v18 =	vsub.f32 v20, v27;
	v19 =	vld.idx.msk [tilespmem:v51+s2+$0x0], $0xffff;
	[tilespmem:v21+s18+$0x0] =	vst.idx.msk $0xff, v11  }
0xf1: {  	v20 =	vmax.f32 v12, v15;
	v13 =	vld.idx.msk [tilespmem:v50+s2+$0x0], $0xffff  }
.Ltmp1:
0xf2: {  	v17 =	vmax.f32 v17, v18;
	v18 =	vsub.f32 v26, v22;
	v21 =	vperm.xlane v25, v8;
	v15 =	vld.idx.msk [tilespmem:v54+s2+$0x0], $0xffff;
	(pc) =	sbr.rel @p0 .LBB2_5-.Ltmp1, $4  }
0xf3: {  	s26 =	sadd.s32 $0x20, s26;
	v11 =	vmov s23;
	s23 =	smov.u32 s28;
	v30 =	vperm.xlane v25, v7;
	v22 =	vperm.xlane v16, v0;
	v12 =	vld.idx.msk [tilespmem:v52+s2+$0x0], $0xffff;
	[tilespmem:v29+s18+$0x0] =	vst.idx.msk $0xff, v20  }
0xf4: {  	v28 =	vperm.xlane v16, v2;
	v20 =	vperm.xlane v25, v6;
	v26 =	vld [tilespmem:s26+$0x0];
	v29 =	vadd.s32 v1, v21  }
0xf5: {  	v32 =	vperm.xlane v25, v5;
	v27 =	vperm.xlane v16, v3;
	v30 =	vadd.s32 v1, v30;
	v21 =	vld [tilespmem:s26+$0xFFFFFFF0]  }
0xf6: {  	s28 =	sadd.s32 $0x2, s28;
	v33 =	vperm.xlane v25, v4;
	v22 =	vadd.s32 v1, v22;
	v31 =	vadd.s32 v1, v20;
	v20 =	vld.idx.msk [tilespmem:v53+s2+$0x0], $0xffff  }
0xf7: {  	_ =	sdelay $0x3  }
0xf8: {  	v23 =	vld.idx.msk [tilespmem:v23+s2+$0x0], $0xffff  }
0xf9: {  	v32 =	vadd.s32 v1, v32;
	v24 =	vld.idx.msk [tilespmem:v24+s2+$0x0], $0xffff  }
0xfa: {  	v29 =	vld.idx.msk [tilespmem:v29+s2+$0x0], $0xffff;
	v28 =	vadd.s32 v1, v28  }
0xfb: {  	v34 =	vperm.xlane v25, v3;
	v30 =	vld.idx.msk [tilespmem:v30+s2+$0x0], $0xffff;
	v27 =	vadd.s32 v1, v27  }
0xfc: {  	v35 =	vperm.xlane v25, v0;
	v31 =	vld.idx.msk [tilespmem:v31+s2+$0x0], $0xffff;
	v33 =	vadd.s32 v1, v33  }
0xfd: {  	v58 =	vperm.xlane v25, v2;
	v22 =	vld.idx.msk [tilespmem:v22+s2+$0x0], $0xffff;
	v34 =	vadd.s32 v1, v34  }
0xfe: {  	v46 =	vperm.xlane v16, v4;
	v35 =	vadd.s32 v1, v35;
	v32 =	vld.idx.msk [tilespmem:v32+s2+$0x0], $0xffff  }
0xff: {  	v48 =	vperm.xlane v16, v5;
	v60 =	vperm.xlane v16, v8;
	v25 =	vadd.s32 v1, v58;
	v28 =	vld.idx.msk [tilespmem:v28+s2+$0x0], $0xffff  }
0x100: {  	v50 =	vperm.xlane v16, v6;
	v36 =	vperm.xlane v26, v0;
	v46 =	vadd.s32 v1, v46;
	v27 =	vld.idx.msk [tilespmem:v27+s2+$0x0], $0xffff  }
0x101: {  	v52 =	vperm.xlane v16, v7;
	v37 =	vperm.xlane v26, v2;
	v16 =	vadd.s32 v1, v60;
	v33 =	vld.idx.msk [tilespmem:v33+s2+$0x0], $0xffff  }
0x102: {  	v38 =	vperm.xlane v26, v3;
	v36 =	vadd.s32 v1, v36;
	v34 =	vld.idx.msk [tilespmem:v34+s2+$0x0], $0xffff  }
0x103: {  	v39 =	vperm.xlane v26, v4;
	v37 =	vadd.s32 v1, v37;
	v35 =	vld.idx.msk [tilespmem:v35+s2+$0x0], $0xffff  }
0x104: {  	v40 =	vperm.xlane v26, v5;
	v38 =	vadd.s32 v1, v38;
	v25 =	vld.idx.msk [tilespmem:v25+s2+$0x0], $0xffff  }
0x105: {  	v41 =	vperm.xlane v26, v6;
	v39 =	vadd.s32 v1, v39;
	v63 =	vld.idx.msk [tilespmem:v46+s2+$0x0], $0xffff  }
0x106: {  	v42 =	vperm.xlane v26, v7;
	v40 =	vadd.s32 v1, v40;
	v16 =	vld.idx.msk [tilespmem:v16+s2+$0x0], $0xffff  }
0x107: {  	v59 =	vperm.xlane v26, v8;
	v41 =	vadd.s32 v1, v41;
	v36 =	vld.idx.msk [tilespmem:v36+s2+$0x0], $0xffff  }
0x108: {  	v43 =	vperm.xlane v21, v0;
	v42 =	vadd.s32 v1, v42;
	v37 =	vld.idx.msk [tilespmem:v37+s2+$0x0], $0xffff  }
0x109: {  	v44 =	vperm.xlane v21, v2;
	v26 =	vadd.s32 v1, v59;
	v38 =	vld.idx.msk [tilespmem:v38+s2+$0x0], $0xffff  }
0x10a: {  	v45 =	vperm.xlane v21, v3;
	v43 =	vadd.s32 v1, v43;
	v39 =	vld.idx.msk [tilespmem:v39+s2+$0x0], $0xffff  }
0x10b: {  	v14 =	vsub.f32 v14, v19;
	v44 =	vadd.s32 v1, v44;
	v40 =	vld.idx.msk [tilespmem:v40+s2+$0x0], $0xffff  }
0x10c: {  	v17 =	vmax.f32 v17, v18;
	v49 =	vperm.xlane v21, v5;
	v45 =	vadd.s32 v1, v45;
	v41 =	vld.idx.msk [tilespmem:v41+s2+$0x0], $0xffff  }
0x10d: {  	v13 =	vsub.f32 v13, v15;
	v48 =	vadd.s32 v1, v48;
	v51 =	vperm.xlane v21, v6;
	v42 =	vld.idx.msk [tilespmem:v42+s2+$0x0], $0xffff  }
0x10e: {  	v11 =	vand.u32 $0x1FE, v11;
	v47 =	vperm.xlane v21, v4;
	v49 =	vadd.s32 v1, v49;
	v26 =	vld.idx.msk [tilespmem:v26+s2+$0x0], $0xffff  }
0x10f: {  	v57 =	vmov s23;
	v11 =	vadd.s32 v10, v11;
	v51 =	vadd.s32 v1, v51;
	v43 =	vld.idx.msk [tilespmem:v43+s2+$0x0], $0xffff  }
0x110: {  	v50 =	vadd.s32 v1, v50;
	v52 =	vadd.s32 v1, v52;
	v47 =	vadd.s32 v1, v47;
	v44 =	vld.idx.msk [tilespmem:v44+s2+$0x0], $0xffff  }
0x111: {  	v14 =	vmax.f32 v17, v14;
	v53 =	vperm.xlane v21, v7;
	v61 =	vperm.xlane v21, v8;
	v62 =	vld.idx.msk [tilespmem:v45+s2+$0x0], $0xffff  }
0x112: {  	v13 =	vmax.f32 v14, v13;
	v12 =	vsub.f32 v12, v20;
	v59 =	vand.u32 $0x1FE, v57;
	v45 =	vld.idx.msk [tilespmem:v48+s2+$0x0], $0xffff  }
0x113: {  	v53 =	vadd.s32 v1, v53;
	v21 =	vadd.s32 v1, v61;
	v23 =	vsub.f32 v23, v24;
	v46 =	vld.idx.msk [tilespmem:v49+s2+$0x0], $0xffff  }
0x114: {  	v60 =	vadd.s32 v10, v59;
	v49 =	vld.idx.msk [tilespmem:v51+s2+$0x0], $0xffff;
	v35 =	vsub.f32 v35, v36;
	v25 =	vsub.f32 v25, v37  }
0x115: {  	v12 =	vmax.f32 v13, v12;
	v34 =	vsub.f32 v34, v38;
	v38 =	vld.idx.msk [tilespmem:v47+s2+$0x0], $0xffff;
	v33 =	vsub.f32 v33, v39  }
0x116: {  	s25 =	sadd.s32 $0x1, s23;
	v12 =	vmax.f32 v12, v23;
	v51 =	vld.idx.msk [tilespmem:v52+s2+$0x0], $0xffff;
	v32 =	vsub.f32 v32, v40;
	v31 =	vsub.f32 v31, v41  }
0x117: {  	v48 =	vmov s25;
	v47 =	vld.idx.msk [tilespmem:v50+s2+$0x0], $0xffff;
	v30 =	vsub.f32 v30, v42;
	v26 =	vsub.f32 v29, v26  }
0x118: {  	v52 =	vld.idx.msk [tilespmem:v53+s2+$0x0], $0xffff;
	v50 =	vand.u32 $0x1FF, v48;
	v22 =	vsub.f32 v22, v43;
	v53 =	vsub.f32 v28, v44  }
0x119: {  	v21 =	vld.idx.msk [tilespmem:v21+s2+$0x0], $0xffff;
	v29 =	vadd.s32 v10, v50;
	v19 =	vsub.f32 v27, v62;
	v25 =	vmax.f32 v35, v25  }
0x11a: {  	v25 =	vmax.f32 v25, v34;
	v55 =	vmax.f32 v22, v53;
	v18 =	vsub.f32 v63, v38  }
0x11b: {  	v15 =	vsub.f32 v45, v46;
	v25 =	vmax.f32 v25, v33;
	v13 =	vmax.f32 v55, v19  }
0x11c: {  	v25 =	vmax.f32 v25, v32;
	v56 =	vsub.f32 v47, v49;
	v13 =	vmax.f32 v13, v18  }
0x11d: {  	v14 =	vsub.f32 v51, v52;
	v25 =	vmax.f32 v25, v31;
	v13 =	vmax.f32 v13, v15  }
0x11e: {  	v58 =	vsub.f32 v16, v21;
	v25 =	vmax.f32 v25, v30;
	v13 =	vmax.f32 v13, v56  }
0x11f: {  	v61 =	vperm.xlane v12, v9;
	v25 =	vmax.f32 v25, v26;
	v13 =	vmax.f32 v13, v14  }
0x120: {  	v54 =	vperm.xlane v25, v9;
	v13 =	vmax.f32 v13, v58  }
0x121: {  	v12 =	vmax.f32 v12, v61;
	v63 =	vperm.xlane v13, v9  }
0x122: {  	s31 =	sadd.s32 s24, s8;
	s22 =	sadd.s32 $0x1, s22;
	[tilespmem:v11+s18+$0x0] =	vst.idx.msk $0xff, v12;
	v62 =	vmax.f32 v25, v54  }
0x123: {  	s23 =	sshrl.u32 s31, $0x3;
	p0 =	sne.s32 s22, $0xC;
	[tilespmem:v29+s18+$0x0] =	vst.idx.msk $0xff, v62;
	v11 =	vmax.f32 v13, v63  }
.Ltmp2:
0x124: {  	s23 =	sadd.s32 s5, s23;
	[tilespmem:v60+s18+$0x0] =	vst.idx.msk $0xff, v11;
	(pc) =	sbr.rel @p0 .LBB2_2-.Ltmp2, $4  }
0x125: {  	[hbm4b:s23+s19] =	stream.strided.scatter [tilespmem:s18], [sflag:$0x3], $0xC80, s20, s19, $0x38;
	[tilespmem:$0x1A900] =	vst v63  }
0x126: {  	_ =	swait.ge [sflag:s11], $0xC80  }
0x127: {  	[sflag:s11] =	ssyncset.done $0x0  }
0x128: {  	[sflag:s11] =	ssyncadd.s32 $0xFFFFF380  }
0x129: {  	_ =	swait.ge [sflag:s14], $0x1900  }
0x12a: {  	[sflag:s14] =	ssyncset.done $0x0  }
0x12b: {  	[sflag:s14] =	ssyncadd.s32 $0xFFFFE700  }
0x12c: {  	_ =	swait.ge [sflag:s15], $0x1900  }
0x12d: {  	[sflag:s15] =	ssyncset.done $0x0  }
0x12e: {  	s22 =	simm.s32 $0x13890;
	[sflag:s15] =	ssyncadd.s32 $0xFFFFE700  }
0x12f: {  	v11 =	vld [tilespmem:s22+$0x0];
	_ =	sdelay $0x4  }
0x130: {  	v12 =	vperm.xlane v11, v8  }
0x131: {  	s23 =	simm.s32 $0x16A90;
	v13 =	vperm.xlane v11, v7  }
0x132: {  	v14 =	vld [tilespmem:s23+$0x0];
	v15 =	vperm.xlane v11, v6;
	v12 =	vadd.s32 v1, v12  }
0x133: {  	v16 =	vperm.xlane v11, v5;
	v13 =	vadd.s32 v1, v13  }
0x134: {  	v17 =	vperm.xlane v11, v4;
	v15 =	vadd.s32 v1, v15  }
0x135: {  	v18 =	vld [tilespmem:s22+$0xFFFFFFF0];
	v19 =	vperm.xlane v11, v3;
	v16 =	vadd.s32 v1, v16  }
0x136: {  	v20 =	vld [tilespmem:s23+$0xFFFFFFF0];
	v21 =	vperm.xlane v11, v0;
	v17 =	vadd.s32 v1, v17  }
0x137: {  	v22 =	vperm.xlane v14, v0;
	v19 =	vadd.s32 v1, v19;
	v12 =	vld.idx.msk [tilespmem:v12+s2+$0x0], $0xffff  }
0x138: {  	v11 =	vperm.xlane v11, v2;
	v21 =	vadd.s32 v1, v21;
	v13 =	vld.idx.msk [tilespmem:v13+s2+$0x0], $0xffff  }
0x139: {  	v23 =	vperm.xlane v14, v2;
	v22 =	vadd.s32 v1, v22;
	v15 =	vld.idx.msk [tilespmem:v15+s2+$0x0], $0xffff  }
0x13a: {  	v24 =	vperm.xlane v14, v3;
	v11 =	vadd.s32 v1, v11;
	v16 =	vld.idx.msk [tilespmem:v16+s2+$0x0], $0xffff  }
0x13b: {  	v25 =	vperm.xlane v14, v4;
	v23 =	vadd.s32 v1, v23;
	v17 =	vld.idx.msk [tilespmem:v17+s2+$0x0], $0xffff  }
0x13c: {  	v26 =	vperm.xlane v14, v5;
	v24 =	vadd.s32 v1, v24;
	v19 =	vld.idx.msk [tilespmem:v19+s2+$0x0], $0xffff  }
0x13d: {  	v27 =	vperm.xlane v14, v6;
	v25 =	vadd.s32 v1, v25;
	v21 =	vld.idx.msk [tilespmem:v21+s2+$0x0], $0xffff  }
0x13e: {  	v28 =	vperm.xlane v14, v7;
	v26 =	vadd.s32 v1, v26;
	v22 =	vld.idx.msk [tilespmem:v22+s2+$0x0], $0xffff  }
0x13f: {  	v14 =	vperm.xlane v14, v8;
	v27 =	vadd.s32 v1, v27;
	v11 =	vld.idx.msk [tilespmem:v11+s2+$0x0], $0xffff  }
0x140: {  	v29 =	vperm.xlane v18, v0;
	v30 =	vperm.xlane v18, v2;
	v28 =	vadd.s32 v1, v28;
	v23 =	vld.idx.msk [tilespmem:v23+s2+$0x0], $0xffff  }
0x141: {  	v31 =	vperm.xlane v20, v0;
	v32 =	vperm.xlane v18, v3;
	v14 =	vadd.s32 v1, v14;
	v24 =	vld.idx.msk [tilespmem:v24+s2+$0x0], $0xffff  }
0x142: {  	v33 =	vperm.xlane v20, v2;
	v34 =	vperm.xlane v18, v4;
	v29 =	vadd.s32 v1, v29;
	v25 =	vld.idx.msk [tilespmem:v25+s2+$0x0], $0xffff  }
0x143: {  	v35 =	vperm.xlane v20, v3;
	v36 =	vperm.xlane v20, v4;
	v31 =	vadd.s32 v1, v31;
	v26 =	vld.idx.msk [tilespmem:v26+s2+$0x0], $0xffff  }
0x144: {  	v37 =	vperm.xlane v18, v5;
	v38 =	vperm.xlane v20, v5;
	v30 =	vadd.s32 v1, v30;
	v27 =	vld.idx.msk [tilespmem:v27+s2+$0x0], $0xffff  }
0x145: {  	v39 =	vperm.xlane v18, v6;
	v62 =	vperm.xlane v20, v7;
	v28 =	vld.idx.msk [tilespmem:v28+s2+$0x0], $0xffff  }
0x146: {  	v32 =	vadd.s32 v1, v32;
	v33 =	vadd.s32 v1, v33;
	v35 =	vadd.s32 v1, v35;
	v14 =	vld.idx.msk [tilespmem:v14+s2+$0x0], $0xffff  }
0x147: {  	v34 =	vadd.s32 v1, v34;
	v36 =	vadd.s32 v1, v36;
	v37 =	vadd.s32 v1, v37;
	v29 =	vld.idx.msk [tilespmem:v29+s2+$0x0], $0xffff  }
0x148: {  	v38 =	vadd.s32 v1, v38;
	v63 =	vadd.s32 v1, v62;
	v21 =	vsub.f32 v21, v22;
	v22 =	vld.idx.msk [tilespmem:v31+s2+$0x0], $0xffff  }
0x149: {  	s23 =	simm.s32 $0x138B0;
	v11 =	vsub.f32 v11, v23;
	v23 =	vperm.xlane v20, v6;
	v19 =	vsub.f32 v19, v24;
	v24 =	vld.idx.msk [tilespmem:v30+s2+$0x0], $0xffff  }
0x14a: {  	v31 =	vadd.s32 v1, v39;
	v30 =	vperm.xlane v18, v7;
	v17 =	vsub.f32 v17, v25;
	v25 =	vld [tilespmem:s23+$0x0]  }
0x14b: {  	v16 =	vsub.f32 v16, v26;
	v15 =	vsub.f32 v15, v27;
	v11 =	vmax.f32 v21, v11;
	v21 =	vld.idx.msk [tilespmem:v33+s2+$0x0], $0xffff  }
0x14c: {  	v18 =	vperm.xlane v18, v8;
	v13 =	vsub.f32 v13, v28;
	v11 =	vmax.f32 v11, v19;
	v19 =	vld.idx.msk [tilespmem:v32+s2+$0x0], $0xffff  }
0x14d: {  	s30 =	simm.s32 $0x1;
	v12 =	vsub.f32 v12, v14;
	v20 =	vperm.xlane v20, v8;
	v11 =	vmax.f32 v11, v17;
	v17 =	vld.idx.msk [tilespmem:v35+s2+$0x0], $0xffff  }
0x14e: {  	v27 =	vld.idx.msk [tilespmem:v34+s2+$0x0], $0xffff;
	v26 =	vadd.s32 v1, v23;
	v11 =	vmax.f32 v11, v16;
	v16 =	vmov s30  }
0x14f: {  	v28 =	vadd.s32 v1, v30;
	v11 =	vmax.f32 v11, v15;
	v15 =	vld.idx.msk [tilespmem:v36+s2+$0x0], $0xffff;
	v14 =	vand.u32 $0x1FF, v16  }
0x150: {  	v16 =	vld [tilespmem:s23+$0xFFFFFFF0];
	v11 =	vmax.f32 v11, v13;
	v30 =	vadd.s32 v10, v14;
	v21 =	vsub.f32 v24, v21  }
0x151: {  	v14 =	vld.idx.msk [tilespmem:v37+s2+$0x0], $0xffff;
	v24 =	vadd.s32 v1, v20;
	v11 =	vmax.f32 v11, v12;
	v12 =	vsub.f32 v29, v22  }
0x152: {  	s24 =	simm.s32 $0x16AB0;
	v20 =	vperm.xlane v25, v8;
	v13 =	vperm.xlane v11, v9;
	v17 =	vsub.f32 v19, v17;
	v19 =	vld.idx.msk [tilespmem:v38+s2+$0x0], $0xffff  }
0x153: {  	v23 =	vadd.s32 v1, v18;
	v32 =	vperm.xlane v25, v5;
	v12 =	vmax.f32 v12, v21;
	v21 =	vld [tilespmem:s24+$0xFFFFFFF0]  }
0x154: {  	v33 =	vperm.xlane v25, v4;
	v29 =	vadd.s32 v1, v20;
	v11 =	vmax.f32 v11, v13;
	v13 =	vld.idx.msk [tilespmem:v31+s2+$0x0], $0xffff  }
0x155: {  	v18 =	vsub.f32 v27, v15;
	v15 =	vld.idx.msk [tilespmem:v26+s2+$0x0], $0xffff;
	[tilespmem:v30+s18+$0x0] =	vst.idx.msk $0xff, v11;
	v30 =	vperm.xlane v25, v7  }
0x156: {  	v17 =	vmax.f32 v12, v17;
	v22 =	vperm.xlane v16, v0;
	v26 =	vld [tilespmem:s24+$0x0];
	v31 =	vperm.xlane v25, v6  }
0x157: {  	s31 =	simm.s32 $0x0;
	v12 =	vld.idx.msk [tilespmem:v28+s2+$0x0], $0xffff;
	v28 =	vperm.xlane v16, v2;
	v27 =	vperm.xlane v16, v3;
	v30 =	vadd.s32 v1, v30  }
0x158: {  	s25 =	simm.s32 $0x4;
	s22 =	simm.s32 $0x2;
	v20 =	vld.idx.msk [tilespmem:v63+s2+$0x0], $0xffff;
	v11 =	vmov s31;
	v22 =	vadd.s32 v1, v22;
	v31 =	vadd.s32 v1, v31  }
.LBB2_8:
0x159: {  	p0 =	slt.u32 s25, $0x18E;
	v28 =	vadd.s32 v1, v28;
	v34 =	vperm.xlane v25, v3;
	v32 =	vadd.s32 v1, v32;
	v35 =	vld.idx.msk [tilespmem:v23+s2+$0x0], $0xffff  }
0x15a: {  	v23 =	vperm.xlane v16, v4;
	v36 =	vperm.xlane v25, v0;
	v33 =	vadd.s32 v1, v33;
	v37 =	vld.idx.msk [tilespmem:v24+s2+$0x0], $0xffff  }
0x15b: {  	v27 =	vadd.s32 v1, v27;
	v24 =	vperm.xlane v26, v0;
	v34 =	vadd.s32 v1, v34;
	v29 =	vld.idx.msk [tilespmem:v29+s2+$0x0], $0xffff  }
0x15c: {  	v25 =	vperm.xlane v25, v2;
	v36 =	vadd.s32 v1, v36;
	v38 =	vperm.xlane v21, v0;
	v30 =	vld.idx.msk [tilespmem:v30+s2+$0x0], $0xffff  }
0x15d: {  	v40 =	vperm.xlane v26, v2;
	v39 =	vperm.xlane v21, v2;
	v24 =	vadd.s32 v1, v24;
	v31 =	vld.idx.msk [tilespmem:v31+s2+$0x0], $0xffff  }
0x15e: {  	v25 =	vadd.s32 v1, v25;
	v42 =	vperm.xlane v26, v3;
	v41 =	vperm.xlane v21, v3;
	v32 =	vld.idx.msk [tilespmem:v32+s2+$0x0], $0xffff  }
0x15f: {  	v43 =	vperm.xlane v26, v4;
	v40 =	vadd.s32 v1, v40;
	v38 =	vadd.s32 v1, v38;
	v33 =	vld.idx.msk [tilespmem:v33+s2+$0x0], $0xffff  }
0x160: {  	v44 =	vperm.xlane v26, v5;
	v42 =	vadd.s32 v1, v42;
	v39 =	vadd.s32 v1, v39;
	v34 =	vld.idx.msk [tilespmem:v34+s2+$0x0], $0xffff  }
0x161: {  	v46 =	vperm.xlane v26, v6;
	v45 =	vperm.xlane v21, v4;
	v43 =	vadd.s32 v1, v43;
	v36 =	vld.idx.msk [tilespmem:v36+s2+$0x0], $0xffff  }
0x162: {  	v47 =	vperm.xlane v26, v7;
	v44 =	vadd.s32 v1, v44;
	v41 =	vadd.s32 v1, v41;
	v24 =	vld.idx.msk [tilespmem:v24+s2+$0x0], $0xffff  }
0x163: {  	v48 =	vperm.xlane v16, v5;
	v26 =	vperm.xlane v26, v8;
	v46 =	vadd.s32 v1, v46;
	v25 =	vld.idx.msk [tilespmem:v25+s2+$0x0], $0xffff  }
0x164: {  	v49 =	vadd.s32 v1, v23;
	v23 =	vperm.xlane v21, v5;
	v47 =	vadd.s32 v1, v47;
	v40 =	vld.idx.msk [tilespmem:v40+s2+$0x0], $0xffff  }
0x165: {  	v50 =	vperm.xlane v16, v6;
	v26 =	vadd.s32 v1, v26;
	v45 =	vadd.s32 v1, v45;
	v42 =	vld.idx.msk [tilespmem:v42+s2+$0x0], $0xffff  }
0x166: {  	v48 =	vadd.s32 v1, v48;
	v51 =	vadd.s32 v1, v23;
	v23 =	vperm.xlane v21, v6;
	v43 =	vld.idx.msk [tilespmem:v43+s2+$0x0], $0xffff  }
0x167: {  	v52 =	vperm.xlane v16, v7;
	v50 =	vadd.s32 v1, v50;
	v53 =	vperm.xlane v21, v7;
	v44 =	vld.idx.msk [tilespmem:v44+s2+$0x0], $0xffff  }
0x168: {  	v16 =	vperm.xlane v16, v8;
	v21 =	vperm.xlane v21, v8;
	v54 =	vadd.s32 v1, v23;
	v46 =	vld.idx.msk [tilespmem:v46+s2+$0x0], $0xffff  }
0x169: {  	v14 =	vsub.f32 v14, v19;
	v52 =	vadd.s32 v1, v52;
	v53 =	vadd.s32 v1, v53;
	v47 =	vld.idx.msk [tilespmem:v47+s2+$0x0], $0xffff  }
0x16a: {  	v23 =	vadd.s32 v1, v16;
	v16 =	vsub.f32 v36, v24;
	v19 =	vsub.f32 v25, v40;
	v25 =	vld.idx.msk [tilespmem:v26+s2+$0x0], $0xffff  }
0x16b: {  	v17 =	vmax.f32 v17, v18;
	v24 =	vadd.s32 v1, v21;
	v21 =	vsub.f32 v34, v42;
	v22 =	vld.idx.msk [tilespmem:v22+s2+$0x0], $0xffff  }
0x16c: {  	v13 =	vsub.f32 v13, v15;
	v16 =	vmax.f32 v16, v19;
	v19 =	vsub.f32 v33, v43;
	v18 =	vld.idx.msk [tilespmem:v38+s2+$0x0], $0xffff  }
0x16d: {  	v14 =	vmax.f32 v17, v14;
	v16 =	vmax.f32 v16, v21;
	v21 =	vsub.f32 v32, v44;
	v15 =	vld.idx.msk [tilespmem:v28+s2+$0x0], $0xffff  }
0x16e: {  	s26 =	sadd.s32 $0x1, s22;
	v12 =	vsub.f32 v12, v20;
	v16 =	vmax.f32 v16, v19;
	v19 =	vsub.f32 v31, v46;
	v17 =	vld.idx.msk [tilespmem:v39+s2+$0x0], $0xffff  }
0x16f: {  	v26 =	vmov s26;
	v16 =	vmax.f32 v16, v21;
	v21 =	vsub.f32 v30, v47;
	v20 =	vld.idx.msk [tilespmem:v27+s2+$0x0], $0xffff  }
0x170: {  	v16 =	vmax.f32 v16, v19;
	v19 =	vsub.f32 v29, v25;
	v25 =	vand.u32 $0x1FF, v26;
	v27 =	vld.idx.msk [tilespmem:v41+s2+$0x0], $0xffff  }
0x171: {  	v13 =	vmax.f32 v14, v13;
	v16 =	vmax.f32 v16, v21;
	v21 =	vadd.s32 v10, v25;
	v26 =	vld.idx.msk [tilespmem:v49+s2+$0x0], $0xffff  }
0x172: {  	s23 =	sadd.s32 $0x20, s23;
	v14 =	vsub.f32 v35, v37;
	v18 =	vsub.f32 v22, v18;
	v19 =	vmax.f32 v16, v19;
	v22 =	vld.idx.msk [tilespmem:v45+s2+$0x0], $0xffff  }
0x173: {  	v11 =	vand.u32 $0x1FE, v11;
	v12 =	vmax.f32 v13, v12;
	v28 =	vperm.xlane v19, v9;
	v25 =	vld [tilespmem:s23+$0x0]  }
0x174: {  	v12 =	vmax.f32 v12, v14;
	v29 =	vadd.s32 v10, v11;
	v13 =	vsub.f32 v15, v17;
	v16 =	vld [tilespmem:s23+$0xFFFFFFF0]  }
0x175: {  	v15 =	vperm.xlane v12, v9;
	v11 =	vmax.f32 v19, v28;
	v14 =	vld.idx.msk [tilespmem:v48+s2+$0x0], $0xffff  }
0x176: {  	v17 =	vmax.f32 v18, v13;
	v18 =	vsub.f32 v20, v27;
	v19 =	vld.idx.msk [tilespmem:v51+s2+$0x0], $0xffff;
	[tilespmem:v21+s18+$0x0] =	vst.idx.msk $0xff, v11  }
0x177: {  	v20 =	vmax.f32 v12, v15;
	v13 =	vld.idx.msk [tilespmem:v50+s2+$0x0], $0xffff  }
.Ltmp3:
0x178: {  	v17 =	vmax.f32 v17, v18;
	v18 =	vsub.f32 v26, v22;
	v21 =	vperm.xlane v25, v8;
	v15 =	vld.idx.msk [tilespmem:v54+s2+$0x0], $0xffff;
	(pc) =	sbr.rel @p0 .LBB2_8-.Ltmp3, $4  }
0x179: {  	s24 =	sadd.s32 $0x20, s24;
	v11 =	vmov s22;
	s22 =	smov.u32 s25;
	v30 =	vperm.xlane v25, v7;
	v22 =	vperm.xlane v16, v0;
	v12 =	vld.idx.msk [tilespmem:v52+s2+$0x0], $0xffff;
	[tilespmem:v29+s18+$0x0] =	vst.idx.msk $0xff, v20  }
0x17a: {  	v28 =	vperm.xlane v16, v2;
	v20 =	vperm.xlane v25, v6;
	v26 =	vld [tilespmem:s24+$0x0];
	v29 =	vadd.s32 v1, v21  }
0x17b: {  	v32 =	vperm.xlane v25, v5;
	v27 =	vperm.xlane v16, v3;
	v30 =	vadd.s32 v1, v30;
	v21 =	vld [tilespmem:s24+$0xFFFFFFF0]  }
0x17c: {  	s25 =	sadd.s32 $0x2, s25;
	v33 =	vperm.xlane v25, v4;
	v22 =	vadd.s32 v1, v22;
	v31 =	vadd.s32 v1, v20;
	v20 =	vld.idx.msk [tilespmem:v53+s2+$0x0], $0xffff  }
0x17d: {  	_ =	sdelay $0x3  }
0x17e: {  	v23 =	vld.idx.msk [tilespmem:v23+s2+$0x0], $0xffff  }
0x17f: {  	v32 =	vadd.s32 v1, v32;
	v24 =	vld.idx.msk [tilespmem:v24+s2+$0x0], $0xffff  }
0x180: {  	v29 =	vld.idx.msk [tilespmem:v29+s2+$0x0], $0xffff;
	v28 =	vadd.s32 v1, v28  }
0x181: {  	v34 =	vperm.xlane v25, v3;
	v30 =	vld.idx.msk [tilespmem:v30+s2+$0x0], $0xffff;
	v27 =	vadd.s32 v1, v27  }
0x182: {  	v35 =	vperm.xlane v25, v0;
	v31 =	vld.idx.msk [tilespmem:v31+s2+$0x0], $0xffff;
	v33 =	vadd.s32 v1, v33  }
0x183: {  	v58 =	vperm.xlane v25, v2;
	v22 =	vld.idx.msk [tilespmem:v22+s2+$0x0], $0xffff;
	v34 =	vadd.s32 v1, v34  }
0x184: {  	v46 =	vperm.xlane v16, v4;
	v35 =	vadd.s32 v1, v35;
	v32 =	vld.idx.msk [tilespmem:v32+s2+$0x0], $0xffff  }
0x185: {  	v48 =	vperm.xlane v16, v5;
	v60 =	vperm.xlane v16, v8;
	v25 =	vadd.s32 v1, v58;
	v28 =	vld.idx.msk [tilespmem:v28+s2+$0x0], $0xffff  }
0x186: {  	v50 =	vperm.xlane v16, v6;
	v36 =	vperm.xlane v26, v0;
	v46 =	vadd.s32 v1, v46;
	v27 =	vld.idx.msk [tilespmem:v27+s2+$0x0], $0xffff  }
0x187: {  	v52 =	vperm.xlane v16, v7;
	v37 =	vperm.xlane v26, v2;
	v16 =	vadd.s32 v1, v60;
	v33 =	vld.idx.msk [tilespmem:v33+s2+$0x0], $0xffff  }
0x188: {  	v38 =	vperm.xlane v26, v3;
	v36 =	vadd.s32 v1, v36;
	v34 =	vld.idx.msk [tilespmem:v34+s2+$0x0], $0xffff  }
0x189: {  	v39 =	vperm.xlane v26, v4;
	v37 =	vadd.s32 v1, v37;
	v35 =	vld.idx.msk [tilespmem:v35+s2+$0x0], $0xffff  }
0x18a: {  	v40 =	vperm.xlane v26, v5;
	v38 =	vadd.s32 v1, v38;
	v25 =	vld.idx.msk [tilespmem:v25+s2+$0x0], $0xffff  }
0x18b: {  	v41 =	vperm.xlane v26, v6;
	v39 =	vadd.s32 v1, v39;
	v63 =	vld.idx.msk [tilespmem:v46+s2+$0x0], $0xffff  }
0x18c: {  	v42 =	vperm.xlane v26, v7;
	v40 =	vadd.s32 v1, v40;
	v16 =	vld.idx.msk [tilespmem:v16+s2+$0x0], $0xffff  }
0x18d: {  	v59 =	vperm.xlane v26, v8;
	v41 =	vadd.s32 v1, v41;
	v36 =	vld.idx.msk [tilespmem:v36+s2+$0x0], $0xffff  }
0x18e: {  	v43 =	vperm.xlane v21, v0;
	v42 =	vadd.s32 v1, v42;
	v37 =	vld.idx.msk [tilespmem:v37+s2+$0x0], $0xffff  }
0x18f: {  	v44 =	vperm.xlane v21, v2;
	v26 =	vadd.s32 v1, v59;
	v38 =	vld.idx.msk [tilespmem:v38+s2+$0x0], $0xffff  }
0x190: {  	v45 =	vperm.xlane v21, v3;
	v43 =	vadd.s32 v1, v43;
	v39 =	vld.idx.msk [tilespmem:v39+s2+$0x0], $0xffff  }
0x191: {  	v14 =	vsub.f32 v14, v19;
	v44 =	vadd.s32 v1, v44;
	v40 =	vld.idx.msk [tilespmem:v40+s2+$0x0], $0xffff  }
0x192: {  	v17 =	vmax.f32 v17, v18;
	v49 =	vperm.xlane v21, v5;
	v45 =	vadd.s32 v1, v45;
	v41 =	vld.idx.msk [tilespmem:v41+s2+$0x0], $0xffff  }
0x193: {  	v13 =	vsub.f32 v13, v15;
	v48 =	vadd.s32 v1, v48;
	v51 =	vperm.xlane v21, v6;
	v42 =	vld.idx.msk [tilespmem:v42+s2+$0x0], $0xffff  }
0x194: {  	v11 =	vand.u32 $0x1FE, v11;
	v47 =	vperm.xlane v21, v4;
	v49 =	vadd.s32 v1, v49;
	v26 =	vld.idx.msk [tilespmem:v26+s2+$0x0], $0xffff  }
0x195: {  	v57 =	vmov s22;
	v11 =	vadd.s32 v10, v11;
	v51 =	vadd.s32 v1, v51;
	v43 =	vld.idx.msk [tilespmem:v43+s2+$0x0], $0xffff  }
0x196: {  	v50 =	vadd.s32 v1, v50;
	v52 =	vadd.s32 v1, v52;
	v47 =	vadd.s32 v1, v47;
	v44 =	vld.idx.msk [tilespmem:v44+s2+$0x0], $0xffff  }
0x197: {  	v14 =	vmax.f32 v17, v14;
	v53 =	vperm.xlane v21, v7;
	v61 =	vperm.xlane v21, v8;
	v62 =	vld.idx.msk [tilespmem:v45+s2+$0x0], $0xffff  }
0x198: {  	v13 =	vmax.f32 v14, v13;
	v12 =	vsub.f32 v12, v20;
	v59 =	vand.u32 $0x1FE, v57;
	v45 =	vld.idx.msk [tilespmem:v48+s2+$0x0], $0xffff  }
0x199: {  	v53 =	vadd.s32 v1, v53;
	v21 =	vadd.s32 v1, v61;
	v23 =	vsub.f32 v23, v24;
	v46 =	vld.idx.msk [tilespmem:v49+s2+$0x0], $0xffff  }
0x19a: {  	v60 =	vadd.s32 v10, v59;
	v49 =	vld.idx.msk [tilespmem:v51+s2+$0x0], $0xffff;
	v35 =	vsub.f32 v35, v36;
	v25 =	vsub.f32 v25, v37  }
0x19b: {  	v12 =	vmax.f32 v13, v12;
	v34 =	vsub.f32 v34, v38;
	v38 =	vld.idx.msk [tilespmem:v47+s2+$0x0], $0xffff;
	v33 =	vsub.f32 v33, v39  }
0x19c: {  	s23 =	sadd.s32 $0x1, s22;
	v12 =	vmax.f32 v12, v23;
	v51 =	vld.idx.msk [tilespmem:v52+s2+$0x0], $0xffff;
	v32 =	vsub.f32 v32, v40;
	v31 =	vsub.f32 v31, v41  }
0x19d: {  	v48 =	vmov s23;
	v47 =	vld.idx.msk [tilespmem:v50+s2+$0x0], $0xffff;
	v30 =	vsub.f32 v30, v42;
	v26 =	vsub.f32 v29, v26  }
0x19e: {  	v52 =	vld.idx.msk [tilespmem:v53+s2+$0x0], $0xffff;
	v50 =	vand.u32 $0x1FF, v48;
	v22 =	vsub.f32 v22, v43;
	v53 =	vsub.f32 v28, v44  }
0x19f: {  	v21 =	vld.idx.msk [tilespmem:v21+s2+$0x0], $0xffff;
	v29 =	vadd.s32 v10, v50;
	v19 =	vsub.f32 v27, v62;
	v25 =	vmax.f32 v35, v25  }
0x1a0: {  	v25 =	vmax.f32 v25, v34;
	v55 =	vmax.f32 v22, v53;
	v18 =	vsub.f32 v63, v38  }
0x1a1: {  	v15 =	vsub.f32 v45, v46;
	v25 =	vmax.f32 v25, v33;
	v13 =	vmax.f32 v55, v19  }
0x1a2: {  	v25 =	vmax.f32 v25, v32;
	v56 =	vsub.f32 v47, v49;
	v13 =	vmax.f32 v13, v18  }
0x1a3: {  	v14 =	vsub.f32 v51, v52;
	v25 =	vmax.f32 v25, v31;
	v13 =	vmax.f32 v13, v15  }
0x1a4: {  	v58 =	vsub.f32 v16, v21;
	v25 =	vmax.f32 v25, v30;
	v13 =	vmax.f32 v13, v56  }
0x1a5: {  	v61 =	vperm.xlane v12, v9;
	v25 =	vmax.f32 v25, v26;
	v13 =	vmax.f32 v13, v14  }
0x1a6: {  	v54 =	vperm.xlane v25, v9;
	v13 =	vmax.f32 v13, v58  }
0x1a7: {  	v12 =	vmax.f32 v12, v61;
	v63 =	vperm.xlane v13, v9  }
0x1a8: {  	s21 =	sadd.s32 $0x1, s21;
	[tilespmem:v11+s18+$0x0] =	vst.idx.msk $0xff, v12;
	v62 =	vmax.f32 v25, v54  }
0x1a9: {  	p0 =	sne.s32 s21, s10;
	[tilespmem:v29+s18+$0x0] =	vst.idx.msk $0xff, v62;
	v11 =	vmax.f32 v13, v63  }
.Ltmp4:
0x1aa: {  	[tilespmem:v60+s18+$0x0] =	vst.idx.msk $0xff, v11;
	(pc) =	sbr.rel @p0 .LBB2_1-.Ltmp4, $4  }
0x1ab: {  	[hbm4b:s9+s19] =	stream.strided.scatter [tilespmem:s18], [sflag:$0x3], $0xC80, s20, s19, $0x38;
	[tilespmem:$0x1A900] =	vst v63  }
0x1ac: {  	_ =	swait.ge [sflag:s11], $0xC80  }
0x1ad: {  	[sflag:s11] =	ssyncset.done $0x0  }
0x1ae: {  	[sflag:s11] =	ssyncadd.s32 $0xFFFFF380  }
0x1af: {  	_ =	sfence.sel $0x180000  }
0x1b0: {  	[bflag:$0x0] =	sbarrier.arrive $0xFFFF  }
0x1b1: {  	p0 =	sne.s32 s1, $0x0;
	_ =	strace $0x90000047  }
0x1b2: {  	s0 =	sadd.s32 @!p0 $0x100000, s0;
	[bflag:$0x2] =	sbarrier.arrive $0xFFFF  }
0x1b3: {  	[sflag:s0] =	ssyncadd.tile.s32 @!p0 $0x1;
	_ =	shalt  }
.Lfunc_end2:
_tile_overlayer_lowered:
.L_overlay_start_2:
0x1b4: {  	(tag) =	ssettag $0x2  }
0x1b5: {  	s0 =	rddreg [dreg:$0x0];
	s2 =	stileid.u32  }
0x1b6: {  	s1 =	rddreg [dreg:$0x1];
	p0 =	sne.s32 s2, $0x0  }
0x1b7: {  	s3 =	rddreg [dreg:$0x2];
	[bflag:$0x3] =	sbarrier.arrive $0xFFFF;
	s2 =	simm.s32 @!p0 $0x1C03  }
0x1b8: {  	[timem:s3], [sflag:s2] =	dma.local @!p0 [hbm:s0], s1  }
0x1b9: {  	s0 =	simm.s32 @!p0 $0x3  }
0x1ba: {  	_ =	swait.ge @!p0 [sflag:s0], s1  }
0x1bb: {  	s1 =	ssub.s32 @!p0 $0x0, s1;
	[sflag:s0] =	ssyncset.done @!p0 $0x0  }
0x1bc: {  	[sflag:s0] =	ssyncadd.s32 @!p0 s1  }
0x1bd: {  	[bflag:$0x3] =	sbarrier.arrive $0xFFFF  }
0x1be: {  	_ =	shalt  }

</sc_bundles>
